<compile_context>
chip_gen: v7x
topology: tpu7x:2x2x1
jax: 0.10.2.dev20260603
libtpu: 0.0.44.dev20260713+nightly
codegen_flags: <defaults>
</compile_context>

<pallas_src>
import functools
import math

import jax
import jax.numpy as jnp
from jax import lax
from jax.experimental import pallas as pl
from jax.experimental.pallas import tpu as pltpu
from jax.experimental.pallas import tpu_sc as plsc

_SC_CORES = 2
_SC_SUBCORES = 16


_EPS = 1e-5


def _ln(y, g, b):
    mu = jnp.mean(y, axis=-1, keepdims=True)
    d = y - mu
    var = jnp.mean(d * d, axis=-1, keepdims=True)
    return d * jax.lax.rsqrt(var + _EPS) * g + b


def _dot_t(x, w):
    return jax.lax.dot_general(
        x, w, (((1,), (1,)), ((), ())), preferred_element_type=jnp.float32)


def _dot(x, w):
    return jax.lax.dot_general(
        x, w, (((1,), (0,)), ((), ())), preferred_element_type=jnp.float32)


def _bf(x):
    return x.astype(jnp.bfloat16)


def _dot_t16(x, w):
    return jax.lax.dot_general(
        _bf(x), _bf(w), (((1,), (1,)), ((), ())),
        preferred_element_type=jnp.float32)


def _dot16(x, w):
    return jax.lax.dot_general(
        _bf(x), _bf(w), (((1,), (0,)), ((), ())),
        preferred_element_type=jnp.float32)



def _proj_kernel(x_ref, w_ref, o_ref):
    o_ref[...] = _bf(_dot_t16(x_ref[...], w_ref[...]))


def _proj(x, w, row_blk):
    T, H = x.shape
    N = w.shape[0]
    return pl.pallas_call(
        _proj_kernel,
        grid=(T // row_blk,),
        in_specs=[
            pl.BlockSpec((row_blk, H), lambda i: (i, 0)),
            pl.BlockSpec((N, H), lambda i: (0, 0)),
        ],
        out_specs=pl.BlockSpec((row_blk, N), lambda i: (i, 0)),
        out_shape=jax.ShapeDtypeStruct((T, N), jnp.bfloat16),
    )(x, w)



def _attn_kernel(q_ref, k_ref, v_ref, pe_ref, msk_ref, o_ref, *, bm, win):
    m0 = pl.program_id(1) * bm
    q = q_ref[0].astype(jnp.float32) * (1.0 / math.sqrt(q_ref.shape[-1]))
    kwin = k_ref[0, pl.ds(m0, win), :]
    vwin = v_ref[0, pl.ds(m0, win), :]

    t = _bf(_dot_t16(q, kwin))
    r = _bf(_dot16(q, pe_ref[...]))
    row = jax.lax.broadcasted_iota(jnp.int16, (bm, win), 0)
    shift = 1
    while shift < bm:
        r = jnp.where((row & jnp.int16(shift)) != 0,
                      jnp.roll(r, shift, axis=1), r)
        shift *= 2
    s = t + r + msk_ref[...]
    m = jnp.max(s, axis=1, keepdims=True)
    p = jnp.exp(s - m)
    denom = jnp.sum(p.astype(jnp.float32), axis=1, keepdims=True)
    o_ref[0] = _bf(_dot16(p, vwin) / denom)


def _attention(q, k, v, pe, bm):
    BK, M, D = q.shape
    S = k.shape[1]
    L = pe.shape[1]
    win = L + bm
    pe_pad = jnp.concatenate(
        [pe, jnp.zeros((D, win - L), pe.dtype)], axis=1)
    ii = jnp.arange(bm)[:, None]
    jj = jnp.arange(win)[None, :]
    msk = jnp.where((jj >= ii) & (jj < ii + L),
                    0.0, -jnp.inf).astype(jnp.bfloat16)
    kern = functools.partial(_attn_kernel, bm=bm, win=win)
    return pl.pallas_call(
        kern,
        grid=(BK, M // bm),
        in_specs=[
            pl.BlockSpec((1, bm, D), lambda h, i: (h, i, 0)),
            pl.BlockSpec((1, S, D), lambda h, i: (h, 0, 0)),
            pl.BlockSpec((1, S, D), lambda h, i: (h, 0, 0)),
            pl.BlockSpec((D, win), lambda h, i: (0, 0)),
            pl.BlockSpec((bm, win), lambda h, i: (0, 0)),
        ],
        out_specs=pl.BlockSpec((1, bm, D), lambda h, i: (h, i, 0)),
        out_shape=jax.ShapeDtypeStruct((BK, M, D), jnp.bfloat16),
    )(q, k, v, pe_pad, msk)



def _wo_ln_kernel(x_ref, h_ref, w_ref, g_ref, b_ref, o_ref):
    y = h_ref[...] + _dot_t16(x_ref[...], w_ref[...])
    o_ref[...] = _ln(y, g_ref[...], b_ref[...])


def _wo_ln(x, h, w, g, b, row_blk):
    T, H = x.shape
    return pl.pallas_call(
        _wo_ln_kernel,
        grid=(T // row_blk,),
        in_specs=[
            pl.BlockSpec((row_blk, H), lambda i: (i, 0)),
            pl.BlockSpec((row_blk, H), lambda i: (i, 0)),
            pl.BlockSpec((H, H), lambda i: (0, 0)),
            pl.BlockSpec((1, H), lambda i: (0, 0)),
            pl.BlockSpec((1, H), lambda i: (0, 0)),
        ],
        out_specs=pl.BlockSpec((row_blk, H), lambda i: (i, 0)),
        out_shape=jax.ShapeDtypeStruct((T, H), jnp.float32),
    )(x, h, w, g, b)



def _router_kernel(x_ref, wg_ref, bg_ref, idx_ref, prb_ref):
    logits = _dot_t(x_ref[...], wg_ref[...]) + bg_ref[...]
    R, E = logits.shape
    e_iota = jax.lax.broadcasted_iota(jnp.int32, (R, E), 1)
    m1 = jnp.max(logits, axis=1, keepdims=True)
    i1 = jnp.min(jnp.where(logits == m1, e_iota, E), axis=1, keepdims=True)
    masked = jnp.where(e_iota == i1, -jnp.inf, logits)
    m2 = jnp.max(masked, axis=1, keepdims=True)
    i2 = jnp.min(jnp.where(masked == m2, e_iota, E), axis=1, keepdims=True)
    p1 = 1.0 / (1.0 + jnp.exp(m2 - m1))
    p2 = 1.0 - p1
    idx_ref[...] = jnp.concatenate([i1, i2], axis=1)
    prb_ref[...] = jnp.concatenate([p1, p2], axis=1)


def _router(x, wg, bg, row_blk):
    T, H = x.shape
    E = wg.shape[0]
    return pl.pallas_call(
        _router_kernel,
        grid=(T // row_blk,),
        in_specs=[
            pl.BlockSpec((row_blk, H), lambda i: (i, 0)),
            pl.BlockSpec((E, H), lambda i: (0, 0)),
            pl.BlockSpec((1, E), lambda i: (0, 0)),
        ],
        out_specs=[pl.BlockSpec((row_blk, 2), lambda i: (i, 0)),
                   pl.BlockSpec((row_blk, 2), lambda i: (i, 0))],
        out_shape=[jax.ShapeDtypeStruct((T, 2), jnp.int32),
                   jax.ShapeDtypeStruct((T, 2), jnp.float32)],
    )(x, wg, bg)



def _rank_kernel(ids_ref, rank_ref, cnt_ref, carry, *, n_e, blk):
    @pl.when(pl.program_id(0) == 0)
    def _():
        carry[...] = jnp.zeros_like(carry)

    ids = ids_ref[...]
    e_iota = jax.lax.broadcasted_iota(jnp.int32, (blk, n_e), 1)
    oh = (ids == e_iota).astype(jnp.int32)
    inc = oh
    sh = 1
    while sh < blk:
        inc = inc + jnp.concatenate(
            [jnp.zeros((sh, n_e), jnp.int32), inc[:-sh]], axis=0)
        sh *= 2
    rank_e = (inc - oh) + carry[...]
    rank_ref[...] = jnp.sum(oh * rank_e, axis=1, keepdims=True)
    carry[...] += jnp.sum(oh, axis=0, keepdims=True)
    cnt_ref[...] = carry[...]


def _rank(ids, n_e, blk):
    T2 = ids.shape[0]
    kern = functools.partial(_rank_kernel, n_e=n_e, blk=blk)
    return pl.pallas_call(
        kern,
        grid=(T2 // blk,),
        in_specs=[pl.BlockSpec((blk, 1), lambda i: (i, 0))],
        out_specs=[pl.BlockSpec((blk, 1), lambda i: (i, 0)),
                   pl.BlockSpec((1, n_e), lambda i: (0, 0))],
        out_shape=[jax.ShapeDtypeStruct((T2, 1), jnp.int32),
                   jax.ShapeDtypeStruct((1, n_e), jnp.int32)],
        scratch_shapes=[pltpu.VMEM((1, n_e), jnp.int32)],
    )(ids)


def _pos_kernel(ids_ref, rank_ref, off_ref, pos_ref, *, n_e, blk):
    ids = ids_ref[...]
    e_iota = jax.lax.broadcasted_iota(jnp.int32, (blk, n_e), 1)
    oh = (ids == e_iota).astype(jnp.int32)
    base = jnp.sum(oh * off_ref[...], axis=1, keepdims=True)
    pos_ref[...] = base + rank_ref[...]


def _pos(ids, rank, off, n_e, blk):
    T2 = ids.shape[0]
    kern = functools.partial(_pos_kernel, n_e=n_e, blk=blk)
    return pl.pallas_call(
        kern,
        grid=(T2 // blk,),
        in_specs=[pl.BlockSpec((blk, 1), lambda i: (i, 0)),
                  pl.BlockSpec((blk, 1), lambda i: (i, 0)),
                  pl.BlockSpec((1, n_e), lambda i: (0, 0))],
        out_specs=pl.BlockSpec((blk, 1), lambda i: (i, 0)),
        out_shape=jax.ShapeDtypeStruct((T2, 1), jnp.int32),
    )(ids, rank, off)


def _gmm_meta(cnt, T2, bm, n_e):
    tb = T2 // bm
    ni = tb + n_e - 1
    off = jnp.concatenate([jnp.zeros(1, jnp.int32),
                           jnp.cumsum(cnt.reshape(n_e)).astype(jnp.int32)])
    lo_b = (jnp.arange(tb) * bm)[:, None]
    inter = (off[None, :n_e] < lo_b + bm) & (off[None, 1:] > lo_b)
    keep = inter.reshape(-1)
    dest = jnp.cumsum(keep.astype(jnp.int32)) - 1
    dm = jnp.where(keep, dest, ni)
    r_flat = jnp.repeat(jnp.arange(tb, dtype=jnp.int32), n_e)
    e_flat = jnp.tile(jnp.arange(n_e, dtype=jnp.int32), tb)
    z = jnp.zeros(ni + 1, jnp.int32)
    item_r = z.at[dm].set(r_flat)[:ni]
    item_e = z.at[dm].set(e_flat)[:ni]
    first = (inter & (jnp.cumsum(inter.astype(jnp.int32), axis=1) == 1))
    item_first = z.at[dm].set(first.reshape(-1).astype(jnp.int32))[:ni]
    item_valid = z.at[dm].set(1)[:ni]
    n_items = jnp.sum(keep.astype(jnp.int32))
    sl = jnp.arange(ni)
    item_r = jnp.where(sl >= n_items, item_r[n_items - 1], item_r)
    item_e = jnp.where(sl >= n_items, item_e[n_items - 1], item_e)
    return jnp.concatenate([item_r, item_e, item_first, item_valid, off]), ni



def _gmm_kernel(meta_ref, x_ref, w1_ref, b1_ref, w2_ref, b2_ref, o_ref,
                *, ni, bm):
    i = pl.program_id(0)
    f = pl.program_id(1)
    r = meta_ref[i]
    e = meta_ref[ni + i]
    first = meta_ref[2 * ni + i]
    valid = meta_ref[3 * ni + i]
    lo_g = meta_ref[4 * ni + e]
    hi_g = meta_ref[4 * ni + e + 1]
    he = jnp.maximum(_dot_t16(x_ref[...], w1_ref[0]) + b1_ref[0], 0.0)
    contrib = _dot_t16(he, w2_ref[0])
    contrib = jnp.where(f == 0, contrib + b2_ref[0], contrib)
    ridx = jax.lax.broadcasted_iota(jnp.int32, (bm, 1), 0) + r * bm
    msk = (ridx >= lo_g) & (ridx < hi_g) & (valid > 0)
    contrib = jnp.where(msk, contrib, 0.0)

    @pl.when((first > 0) & (f == 0))
    def _():
        o_ref[...] = contrib

    @pl.when((first == 0) | (f > 0))
    def _():
        o_ref[...] += contrib


def _gmm(meta, ni, xg, w1, b1, w2, b2, bm, ffb):
    T2, H = xg.shape
    E, FF, _ = w1.shape
    n_f = FF // ffb
    kern = functools.partial(_gmm_kernel, ni=ni, bm=bm)
    grid_spec = pltpu.PrefetchScalarGridSpec(
        num_scalar_prefetch=1,
        grid=(ni, n_f),
        in_specs=[
            pl.BlockSpec((bm, H), lambda i, f, m: (m[i], 0)),
            pl.BlockSpec((1, ffb, H), lambda i, f, m: (m[ni + i], f, 0)),
            pl.BlockSpec((1, 1, ffb), lambda i, f, m: (m[ni + i], 0, f)),
            pl.BlockSpec((1, H, ffb), lambda i, f, m: (m[ni + i], 0, f)),
            pl.BlockSpec((1, 1, H), lambda i, f, m: (m[ni + i], 0, 0)),
        ],
        out_specs=pl.BlockSpec((bm, H), lambda i, f, m: (m[i], 0)),
    )
    return pl.pallas_call(
        kern,
        grid_spec=grid_spec,
        out_shape=jax.ShapeDtypeStruct((T2, H), jnp.float32),
    )(meta, xg, w1, b1, w2, b2)



def _sc_scatter(x, pos0, pos1):
    T, H = x.shape
    nw = _SC_CORES * _SC_SUBCORES
    tw = T // nw
    mesh = plsc.VectorSubcoreMesh(core_axis_name="c", subcore_axis_name="s")

    @functools.partial(
        pl.kernel, mesh=mesh,
        out_type=jax.ShapeDtypeStruct((2 * T, H), jnp.float32),
        scratch_types=[
            pltpu.VMEM((tw,), jnp.int32),
            pltpu.VMEM((tw,), jnp.int32),
            pltpu.VMEM((tw, H), jnp.float32),
            pltpu.SemaphoreType.DMA,
        ],
    )
    def k(x_hbm, p0_hbm, p1_hbm, out_hbm, i0_v, i1_v, rows_v, sem):
        wid = lax.axis_index("s") * _SC_CORES + lax.axis_index("c")
        base = wid * tw
        pltpu.sync_copy(p0_hbm.at[pl.ds(base, tw)], i0_v)
        pltpu.sync_copy(p1_hbm.at[pl.ds(base, tw)], i1_v)
        pltpu.sync_copy(x_hbm.at[pl.ds(base, tw)], rows_v)
        pltpu.async_copy(rows_v, out_hbm.at[i0_v], sem).wait()
        pltpu.async_copy(rows_v, out_hbm.at[i1_v], sem).wait()

    return k(x, pos0, pos1)


def _sc_gather(yg, pos0, pos1):
    T2, H = yg.shape
    T = T2 // 2
    nw = _SC_CORES * _SC_SUBCORES
    tw = T // nw
    mesh = plsc.VectorSubcoreMesh(core_axis_name="c", subcore_axis_name="s")

    @functools.partial(
        pl.kernel, mesh=mesh,
        out_type=(jax.ShapeDtypeStruct((T, H), jnp.float32),
                  jax.ShapeDtypeStruct((T, H), jnp.float32)),
        scratch_types=[
            pltpu.VMEM((tw,), jnp.int32),
            pltpu.VMEM((tw, H), jnp.float32),
            pltpu.SemaphoreType.DMA,
        ],
    )
    def k(yg_hbm, p0_hbm, p1_hbm, g0_hbm, g1_hbm, idx_v, rows_v, sem):
        wid = lax.axis_index("s") * _SC_CORES + lax.axis_index("c")
        base = wid * tw
        pltpu.sync_copy(p0_hbm.at[pl.ds(base, tw)], idx_v)
        pltpu.async_copy(yg_hbm.at[idx_v], rows_v, sem).wait()
        pltpu.sync_copy(rows_v, g0_hbm.at[pl.ds(base, tw)])
        pltpu.sync_copy(p1_hbm.at[pl.ds(base, tw)], idx_v)
        pltpu.async_copy(yg_hbm.at[idx_v], rows_v, sem).wait()
        pltpu.sync_copy(rows_v, g1_hbm.at[pl.ds(base, tw)])

    return k(yg, pos0, pos1)



def _comb_kernel(h1_ref, g0_ref, g1_ref, p0_ref, p1_ref,
                 lnm_g_ref, lnm_b_ref, ln2_g_ref, ln2_b_ref, o_ref):
    core = p0_ref[...] * g0_ref[...] + p1_ref[...] * g1_ref[...]
    h1 = h1_ref[...]
    smoe = _ln(h1 + core, lnm_g_ref[...], lnm_b_ref[...])
    o_ref[...] = _ln(h1 + smoe, ln2_g_ref[...], ln2_b_ref[...])


def _comb_ln(h1, g0, g1, p0, p1, lnm_g, lnm_b, ln2_g, ln2_b, row_blk):
    T, H = h1.shape
    rb = pl.BlockSpec((row_blk, H), lambda i: (i, 0))
    cb = pl.BlockSpec((row_blk, 1), lambda i: (i, 0))
    vb = pl.BlockSpec((1, H), lambda i: (0, 0))
    return pl.pallas_call(
        _comb_kernel,
        grid=(T // row_blk,),
        in_specs=[rb, rb, rb, cb, cb, vb, vb, vb, vb],
        out_specs=rb,
        out_shape=jax.ShapeDtypeStruct((T, H), jnp.float32),
    )(h1, g0, g1, p0, p1, lnm_g, lnm_b, ln2_g, ln2_b)



def kernel(h, h_cache, key_pe, Wq, Wk, Wv, Wo, ln1_g, ln1_b, lnm_g, lnm_b,
           ln2_g, ln2_b, Wg, bg, W1, b1, W2, b2):
    B, M, H = h.shape
    L = h_cache.shape[1]
    D = key_pe.shape[1]
    K = H // D
    S = L + M
    E, FF, _ = W1.shape
    T = B * M

    h_all = jnp.concatenate([h_cache, h], axis=1)
    pe = _bf(key_pe.reshape(D, L))

    q_flat = _proj(h.reshape(T, H), _bf(Wq), min(1024, T))
    wkv = _bf(jnp.concatenate([Wk, Wv], axis=0))
    kv_flat = _proj(h_all.reshape(B * S, H), wkv, min(1024, B * S))

    def heads(x, Tx):
        return (x.reshape(B, Tx, K, D).transpose(0, 2, 1, 3)
                .reshape(B * K, Tx, D))

    q = heads(q_flat, M)
    k = heads(kv_flat[:, :H], S)
    v = heads(kv_flat[:, H:], S)

    attn = _attention(q, k, v, pe, bm=128)
    attn = attn.reshape(B, K, M, D).transpose(0, 2, 1, 3).reshape(T, H)

    h1 = _wo_ln(attn, h.reshape(T, H), _bf(Wo),
                ln1_g.reshape(1, H), ln1_b.reshape(1, H), min(1024, T))

    idx, prb = _router(h1, Wg, bg.reshape(1, E), min(1024, T))
    T2 = 2 * T
    ids_flat = idx.reshape(T2, 1)

    blk = min(1024, T2)
    rank, cnt = _rank(ids_flat, E, blk)
    off_full = jnp.concatenate(
        [jnp.zeros(1, jnp.int32), jnp.cumsum(cnt.reshape(E)).astype(jnp.int32)])
    pos = _pos(ids_flat, rank, off_full[:E].reshape(1, E), E, blk)
    pos_flat = pos.reshape(T2)
    pos0, pos1 = pos_flat[0::2], pos_flat[1::2]

    xg = _sc_scatter(h1, pos0, pos1)

    bm_g = min(512, T2)
    meta, ni = _gmm_meta(cnt, T2, bm_g, E)
    yg = _gmm(meta, ni, xg, W1, b1.reshape(E, 1, FF), W2,
              b2.reshape(E, 1, H), bm_g, min(768, FF))

    g0, g1 = _sc_gather(yg, pos0, pos1)

    h2 = _comb_ln(h1, g0, g1, prb[:, 0:1], prb[:, 1:2],
                  lnm_g.reshape(1, H), lnm_b.reshape(1, H),
                  ln2_g.reshape(1, H), ln2_b.reshape(1, H), min(1024, T))
    return h2.reshape(B, M, H)

# --- scband reference (transcript-rebuilt; emitter-appended) ---
"""Pipeline reference for scband-transformer-seq-layer-40106404610681 (READ-ONLY COPY).

The authoritative reference and input builder live on the scoring server;
editing this copy changes nothing except your own understanding.
"""

import jax, jax.numpy as jnp
import numpy as np

B, M, L, H, K, E, FF = 2, 2048, 2048, 768, 12, 8, 3072
D = H // K


def setup_inputs(seed: int = 0) -> dict:
    key = jax.random.key(seed)
    ks = jax.random.split(key, 16)
    s = 0.02
    return {
        "h": jax.random.normal(ks[0], (B, M, H), jnp.float32),
        "h_cache": jax.random.normal(ks[1], (B, L, H), jnp.float32),
        "key_pe": jax.random.normal(ks[2], (1, D, L), jnp.float32) * s,
        "Wq": jax.random.normal(ks[3], (H, H), jnp.float32) * s,
        "Wk": jax.random.normal(ks[4], (H, H), jnp.float32) * s,
        "Wv": jax.random.normal(ks[5], (H, H), jnp.float32) * s,
        "Wo": jax.random.normal(ks[6], (H, H), jnp.float32) * s,
        "ln1_g": jnp.ones((H,), jnp.float32),
        "ln1_b": jnp.zeros((H,), jnp.float32),
        "lnm_g": jnp.ones((H,), jnp.float32),
        "lnm_b": jnp.zeros((H,), jnp.float32),
        "ln2_g": jnp.ones((H,), jnp.float32),
        "ln2_b": jnp.zeros((H,), jnp.float32),
        "Wg": jax.random.normal(ks[7], (E, H), jnp.float32) * s,
        "bg": jnp.zeros((E,), jnp.float32),
        "W1": jax.random.normal(ks[8], (E, FF, H), jnp.float32) * s,
        "b1": jnp.zeros((E, FF), jnp.float32),
        "W2": jax.random.normal(ks[9], (E, H, FF), jnp.float32) * s,
        "b2": jnp.zeros((E, H), jnp.float32),
    }


def _layer_norm(x, g, b):
    mu = jnp.mean(x, axis=-1, keepdims=True)
    var = jnp.mean((x - mu) ** 2, axis=-1, keepdims=True)
    return (x - mu) / jnp.sqrt(var + 1e-5) * g + b


def _skew(X):
    # shift every row 1 step to the right: (B, M, L) -> (B, M, M+L)
    Bx, Mx, Lx = X.shape
    X = jnp.pad(X, ((0, 0), (0, 0), (0, Mx + 1)))
    X = X.reshape(Bx, -1)[:, :-Mx]
    return X.reshape(Bx, Mx, Mx + Lx)


def _unskew(X):
    # reverse of _skew: (B, M, M+L) -> (B, M, L)
    Bx, Mx, Lt = X.shape
    Lx = Lt - Mx
    X = X.reshape(Bx, -1)
    X = jnp.pad(X, ((0, 0), (0, Mx)))
    X = X.reshape(Bx, Mx, Lt + 1)
    return X[:, :, :Lx]


def _heads(x):
    Bx, T, _ = x.shape
    return x.reshape(Bx, T, K, D).transpose(0, 2, 1, 3).reshape(Bx * K, T, D)


def reference(h, h_cache, key_pe, Wq, Wk, Wv, Wo, ln1_g, ln1_b, lnm_g, lnm_b, ln2_g, ln2_b, Wg, bg, W1, b1, W2, b2):
    # ---- multi-head sequential attention over [cache; current] ----
    h_all = jnp.concatenate([h_cache, h], axis=1)  # B x (L+M) x H
    q = _heads(h @ Wq.T)          # (B*K, M, D)
    k = _heads(h_all @ Wk.T)      # (B*K, M+L, D)
    v = _heads(h_all @ Wv.T)      # (B*K, M+L, D)
    attn_cont = jnp.matmul(q, k.transpose(0, 2, 1))   # (B*K, M, M+L)
    attn_cont = _unskew(attn_cont)                    # (B*K, M, L)
    attn_pos = jnp.matmul(q, key_pe)                  # (B*K, M, L)
    attn = (attn_cont + attn_pos) / (D ** 0.5)
    attn = jax.nn.softmax(attn, axis=-1)
    attn = _skew(attn)                                # (B*K, M, M+L)
    out = jnp.matmul(attn, v)                         # (B*K, M, D)
    out = out.reshape(B, K, M, D).transpose(0, 2, 1, 3).reshape(B, M, H)
    attn_out = out @ Wo.T
    h1 = _layer_norm(h + attn_out, ln1_g, ln1_b)
    # ---- MoE positionwise FF (top-2 naive gate, post-LN residual) ----
    x2 = h1.reshape(-1, H)
    logits = x2 @ Wg.T + bg                           # (T, E)
    vals, idx = jax.lax.top_k(logits, 2)
    gsc = jax.nn.softmax(vals, axis=-1)
    y = jnp.zeros_like(x2)
    for e in range(E):
        he = jax.nn.relu(x2 @ W1[e].T + b1[e])
        oe = he @ W2[e].T + b2[e]
        w = jnp.where(idx[:, 0] == e, gsc[:, 0], 0.0) + jnp.where(idx[:, 1] == e, gsc[:, 1], 0.0)
        y = y + w[:, None] * oe
    core = y.reshape(B, M, H)
    smoe_out = _layer_norm(h1 + core, lnm_g, lnm_b)
    h2 = _layer_norm(h1 + smoe_out, ln2_g, ln2_b)
    return h2

if __name__ == "__main__":
    import jax
    _d = setup_inputs()
    print(jax.jit(kernel)(*tuple(_d.values())))

</pallas_src>

<mosaic_0001>
#map = affine_map<(d0, d1) -> (0, 0)>
#map1 = affine_map<(d0, d1) -> (0)>
module attributes {stable_mosaic.version = 14 : i64} {
  func.func @k(%arg0: i32, %arg1: i32, %arg2: memref<4096x768xf32, #tpu.memory_space<hbm>>, %arg3: memref<4096xi32, #tpu.memory_space<hbm>>, %arg4: memref<4096xi32, #tpu.memory_space<hbm>>, %arg5: memref<8192x768xf32, #tpu.memory_space<hbm>>, %arg6: memref<128xi32, #tpu.memory_space<vmem>>, %arg7: memref<128xi32, #tpu.memory_space<vmem>>, %arg8: memref<128x768xf32, #tpu.memory_space<vmem>>, %arg9: memref<!tpu.dma_semaphore, #tpu.memory_space<semaphore_mem>>) attributes {dimension_semantics = [#tpu.dimension_semantics<core_parallel>, #tpu.dimension_semantics<subcore_parallel>], iteration_bounds = array<i64: 2, 16>, scalar_prefetch = 0 : i64, scratch_operands = 4 : i64, tpu.core_type = #tpu.core_type<sc_vector_subcore>, window_params = [{transform_indices = #map}, {transform_indices = #map1}, {transform_indices = #map1}, {transform_indices = #map}]} {
    %mul3A = arith.constant 2 : i32
    %mul3A_0 = arith.muli %arg1, %mul3A : i32
    %add3A = arith.addi %mul3A_0, %arg0 : i32
    %mul3A_1 = arith.constant 128 : i32
    %mul3A_2 = arith.muli %add3A, %mul3A_1 : i32
    "tpu.region"() ({
      %run_scoped3A = tpu.sem_alloc : memref<!tpu.dma_semaphore, #tpu.memory_space<semaphore_mem>>
      %dma_start3A_13 = tpu.memref_slice %arg3[%mul3A_2] : memref<4096xi32, #tpu.memory_space<hbm>> -> memref<128xi32, #tpu.memory_space<hbm>>
      %dma_start3A_14 = tpu.memref_slice %arg3[%mul3A_2] : memref<4096xi32, #tpu.memory_space<hbm>> -> memref<128xi32, #tpu.memory_space<hbm>>
      tpu.enqueue_dma source(%dma_start3A_14 : memref<128xi32, #tpu.memory_space<hbm>>) target(%arg6 : memref<128xi32, #tpu.memory_space<vmem>>) target_semaphore(%run_scoped3A : memref<!tpu.dma_semaphore, #tpu.memory_space<semaphore_mem>>)
      %dma_wait3A_15 = tpu.memref_slice %arg3[%mul3A_2] : memref<4096xi32, #tpu.memory_space<hbm>> -> memref<128xi32, #tpu.memory_space<hbm>>
      %dma_wait3A_16 = tpu.memref_slice %arg3[%mul3A_2] : memref<4096xi32, #tpu.memory_space<hbm>> -> memref<128xi32, #tpu.memory_space<hbm>>
      tpu.wait_dma2 semaphore(%run_scoped3A : memref<!tpu.dma_semaphore, #tpu.memory_space<semaphore_mem>>) src(%dma_wait3A_16 : memref<128xi32, #tpu.memory_space<hbm>>) dst(%arg6 : memref<128xi32, #tpu.memory_space<vmem>>)
      tpu.yield
    }) : () -> ()
    "tpu.region"() ({
      %run_scoped3A = tpu.sem_alloc : memref<!tpu.dma_semaphore, #tpu.memory_space<semaphore_mem>>
      %dma_start3A_13 = tpu.memref_slice %arg4[%mul3A_2] : memref<4096xi32, #tpu.memory_space<hbm>> -> memref<128xi32, #tpu.memory_space<hbm>>
      %dma_start3A_14 = tpu.memref_slice %arg4[%mul3A_2] : memref<4096xi32, #tpu.memory_space<hbm>> -> memref<128xi32, #tpu.memory_space<hbm>>
      tpu.enqueue_dma source(%dma_start3A_14 : memref<128xi32, #tpu.memory_space<hbm>>) target(%arg7 : memref<128xi32, #tpu.memory_space<vmem>>) target_semaphore(%run_scoped3A : memref<!tpu.dma_semaphore, #tpu.memory_space<semaphore_mem>>)
      %dma_wait3A_15 = tpu.memref_slice %arg4[%mul3A_2] : memref<4096xi32, #tpu.memory_space<hbm>> -> memref<128xi32, #tpu.memory_space<hbm>>
      %dma_wait3A_16 = tpu.memref_slice %arg4[%mul3A_2] : memref<4096xi32, #tpu.memory_space<hbm>> -> memref<128xi32, #tpu.memory_space<hbm>>
      tpu.wait_dma2 semaphore(%run_scoped3A : memref<!tpu.dma_semaphore, #tpu.memory_space<semaphore_mem>>) src(%dma_wait3A_16 : memref<128xi32, #tpu.memory_space<hbm>>) dst(%arg7 : memref<128xi32, #tpu.memory_space<vmem>>)
      tpu.yield
    }) : () -> ()
    "tpu.region"() ({
      %run_scoped3A = tpu.sem_alloc : memref<!tpu.dma_semaphore, #tpu.memory_space<semaphore_mem>>
      %dma_start3A_13 = arith.constant 0 : i32
      %dma_start3A_14 = tpu.memref_slice %arg2[%mul3A_2, %dma_start3A_13] : memref<4096x768xf32, #tpu.memory_space<hbm>> -> memref<128x768xf32, #tpu.memory_space<hbm>>
      %dma_start3A_15 = arith.constant 0 : i32
      %dma_start3A_16 = tpu.memref_slice %arg2[%mul3A_2, %dma_start3A_15] : memref<4096x768xf32, #tpu.memory_space<hbm>> -> memref<128x768xf32, #tpu.memory_space<hbm>>
      tpu.enqueue_dma source(%dma_start3A_16 : memref<128x768xf32, #tpu.memory_space<hbm>>) target(%arg8 : memref<128x768xf32, #tpu.memory_space<vmem>>) target_semaphore(%run_scoped3A : memref<!tpu.dma_semaphore, #tpu.memory_space<semaphore_mem>>)
      %dma_wait3A_17 = arith.constant 0 : i32
      %dma_wait3A_18 = tpu.memref_slice %arg2[%mul3A_2, %dma_wait3A_17] : memref<4096x768xf32, #tpu.memory_space<hbm>> -> memref<128x768xf32, #tpu.memory_space<hbm>>
      %dma_wait3A_19 = arith.constant 0 : i32
      %dma_wait3A_20 = tpu.memref_slice %arg2[%mul3A_2, %dma_wait3A_19] : memref<4096x768xf32, #tpu.memory_space<hbm>> -> memref<128x768xf32, #tpu.memory_space<hbm>>
      tpu.wait_dma2 semaphore(%run_scoped3A : memref<!tpu.dma_semaphore, #tpu.memory_space<semaphore_mem>>) src(%dma_wait3A_20 : memref<128x768xf32, #tpu.memory_space<hbm>>) dst(%arg8 : memref<128x768xf32, #tpu.memory_space<vmem>>)
      tpu.yield
    }) : () -> ()
    %dma_start3A = arith.constant 0 : i32
    %dma_start3A_3 = arith.constant 0 : i32
    %dma_start3A_4 = tpu.memref_slice %arg5[%dma_start3A, %dma_start3A_3] : memref<8192x768xf32, #tpu.memory_space<hbm>> -> memref<8192x768xf32, #tpu.memory_space<hbm>>
    tpu.enqueue_indirect_dma source(%arg8 : memref<128x768xf32, #tpu.memory_space<vmem>>) target(%dma_start3A_4 : memref<8192x768xf32, #tpu.memory_space<hbm>>) offsets(%arg6 : memref<128xi32, #tpu.memory_space<vmem>>) semaphore(%arg9 : memref<!tpu.dma_semaphore, #tpu.memory_space<semaphore_mem>>)
    %dma_wait3A = arith.constant 0 : i32
    %dma_wait3A_5 = arith.constant 0 : i32
    %dma_wait3A_6 = tpu.memref_slice %arg5[%dma_wait3A, %dma_wait3A_5] : memref<8192x768xf32, #tpu.memory_space<hbm>> -> memref<8192x768xf32, #tpu.memory_space<hbm>>
    tpu.wait_indirect_dma semaphore(%arg9 : memref<!tpu.dma_semaphore, #tpu.memory_space<semaphore_mem>>) src(%arg8 : memref<128x768xf32, #tpu.memory_space<vmem>>) dst(%dma_wait3A_6 : memref<8192x768xf32, #tpu.memory_space<hbm>>)
    %dma_start3A_7 = arith.constant 0 : i32
    %dma_start3A_8 = arith.constant 0 : i32
    %dma_start3A_9 = tpu.memref_slice %arg5[%dma_start3A_7, %dma_start3A_8] : memref<8192x768xf32, #tpu.memory_space<hbm>> -> memref<8192x768xf32, #tpu.memory_space<hbm>>
    tpu.enqueue_indirect_dma source(%arg8 : memref<128x768xf32, #tpu.memory_space<vmem>>) target(%dma_start3A_9 : memref<8192x768xf32, #tpu.memory_space<hbm>>) offsets(%arg7 : memref<128xi32, #tpu.memory_space<vmem>>) semaphore(%arg9 : memref<!tpu.dma_semaphore, #tpu.memory_space<semaphore_mem>>)
    %dma_wait3A_10 = arith.constant 0 : i32
    %dma_wait3A_11 = arith.constant 0 : i32
    %dma_wait3A_12 = tpu.memref_slice %arg5[%dma_wait3A_10, %dma_wait3A_11] : memref<8192x768xf32, #tpu.memory_space<hbm>> -> memref<8192x768xf32, #tpu.memory_space<hbm>>
    tpu.wait_indirect_dma semaphore(%arg9 : memref<!tpu.dma_semaphore, #tpu.memory_space<semaphore_mem>>) src(%arg8 : memref<128x768xf32, #tpu.memory_space<vmem>>) dst(%dma_wait3A_12 : memref<8192x768xf32, #tpu.memory_space<hbm>>)
    return
  }
}

#map = affine_map<(d0, d1) -> (0, 0)>
#map1 = affine_map<(d0, d1) -> (0)>
module attributes {stable_mosaic.version = 14 : i64} {
  func.func @k(%arg0: i32, %arg1: i32, %arg2: memref<8192x768xf32, #tpu.memory_space<hbm>>, %arg3: memref<4096xi32, #tpu.memory_space<hbm>>, %arg4: memref<4096xi32, #tpu.memory_space<hbm>>, %arg5: memref<4096x768xf32, #tpu.memory_space<hbm>>, %arg6: memref<4096x768xf32, #tpu.memory_space<hbm>>, %arg7: memref<128xi32, #tpu.memory_space<vmem>>, %arg8: memref<128x768xf32, #tpu.memory_space<vmem>>, %arg9: memref<!tpu.dma_semaphore, #tpu.memory_space<semaphore_mem>>) attributes {dimension_semantics = [#tpu.dimension_semantics<core_parallel>, #tpu.dimension_semantics<subcore_parallel>], iteration_bounds = array<i64: 2, 16>, scalar_prefetch = 0 : i64, scratch_operands = 3 : i64, tpu.core_type = #tpu.core_type<sc_vector_subcore>, window_params = [{transform_indices = #map}, {transform_indices = #map1}, {transform_indices = #map1}, {transform_indices = #map}, {transform_indices = #map}]} {
    %mul3A = arith.constant 2 : i32
    %mul3A_0 = arith.muli %arg1, %mul3A : i32
    %add3A = arith.addi %mul3A_0, %arg0 : i32
    %mul3A_1 = arith.constant 128 : i32
    %mul3A_2 = arith.muli %add3A, %mul3A_1 : i32
    "tpu.region"() ({
      %run_scoped3A = tpu.sem_alloc : memref<!tpu.dma_semaphore, #tpu.memory_space<semaphore_mem>>
      %dma_start3A_13 = tpu.memref_slice %arg3[%mul3A_2] : memref<4096xi32, #tpu.memory_space<hbm>> -> memref<128xi32, #tpu.memory_space<hbm>>
      %dma_start3A_14 = tpu.memref_slice %arg3[%mul3A_2] : memref<4096xi32, #tpu.memory_space<hbm>> -> memref<128xi32, #tpu.memory_space<hbm>>
      tpu.enqueue_dma source(%dma_start3A_14 : memref<128xi32, #tpu.memory_space<hbm>>) target(%arg7 : memref<128xi32, #tpu.memory_space<vmem>>) target_semaphore(%run_scoped3A : memref<!tpu.dma_semaphore, #tpu.memory_space<semaphore_mem>>)
      %dma_wait3A_15 = tpu.memref_slice %arg3[%mul3A_2] : memref<4096xi32, #tpu.memory_space<hbm>> -> memref<128xi32, #tpu.memory_space<hbm>>
      %dma_wait3A_16 = tpu.memref_slice %arg3[%mul3A_2] : memref<4096xi32, #tpu.memory_space<hbm>> -> memref<128xi32, #tpu.memory_space<hbm>>
      tpu.wait_dma2 semaphore(%run_scoped3A : memref<!tpu.dma_semaphore, #tpu.memory_space<semaphore_mem>>) src(%dma_wait3A_16 : memref<128xi32, #tpu.memory_space<hbm>>) dst(%arg7 : memref<128xi32, #tpu.memory_space<vmem>>)
      tpu.yield
    }) : () -> ()
    %dma_start3A = arith.constant 0 : i32
    %dma_start3A_3 = arith.constant 0 : i32
    %dma_start3A_4 = tpu.memref_slice %arg2[%dma_start3A, %dma_start3A_3] : memref<8192x768xf32, #tpu.memory_space<hbm>> -> memref<8192x768xf32, #tpu.memory_space<hbm>>
    tpu.enqueue_indirect_dma source(%dma_start3A_4 : memref<8192x768xf32, #tpu.memory_space<hbm>>) target(%arg8 : memref<128x768xf32, #tpu.memory_space<vmem>>) offsets(%arg7 : memref<128xi32, #tpu.memory_space<vmem>>) semaphore(%arg9 : memref<!tpu.dma_semaphore, #tpu.memory_space<semaphore_mem>>)
    %dma_wait3A = arith.constant 0 : i32
    %dma_wait3A_5 = arith.constant 0 : i32
    %dma_wait3A_6 = tpu.memref_slice %arg2[%dma_wait3A, %dma_wait3A_5] : memref<8192x768xf32, #tpu.memory_space<hbm>> -> memref<8192x768xf32, #tpu.memory_space<hbm>>
    tpu.wait_indirect_dma semaphore(%arg9 : memref<!tpu.dma_semaphore, #tpu.memory_space<semaphore_mem>>) src(%dma_wait3A_6 : memref<8192x768xf32, #tpu.memory_space<hbm>>) dst(%arg8 : memref<128x768xf32, #tpu.memory_space<vmem>>)
    "tpu.region"() ({
      %run_scoped3A = tpu.sem_alloc : memref<!tpu.dma_semaphore, #tpu.memory_space<semaphore_mem>>
      %dma_start3A_13 = arith.constant 0 : i32
      %dma_start3A_14 = tpu.memref_slice %arg5[%mul3A_2, %dma_start3A_13] : memref<4096x768xf32, #tpu.memory_space<hbm>> -> memref<128x768xf32, #tpu.memory_space<hbm>>
      %dma_start3A_15 = arith.constant 0 : i32
      %dma_start3A_16 = tpu.memref_slice %arg5[%mul3A_2, %dma_start3A_15] : memref<4096x768xf32, #tpu.memory_space<hbm>> -> memref<128x768xf32, #tpu.memory_space<hbm>>
      tpu.enqueue_dma source(%arg8 : memref<128x768xf32, #tpu.memory_space<vmem>>) target(%dma_start3A_16 : memref<128x768xf32, #tpu.memory_space<hbm>>) target_semaphore(%run_scoped3A : memref<!tpu.dma_semaphore, #tpu.memory_space<semaphore_mem>>)
      %dma_wait3A_17 = arith.constant 0 : i32
      %dma_wait3A_18 = tpu.memref_slice %arg5[%mul3A_2, %dma_wait3A_17] : memref<4096x768xf32, #tpu.memory_space<hbm>> -> memref<128x768xf32, #tpu.memory_space<hbm>>
      %dma_wait3A_19 = arith.constant 0 : i32
      %dma_wait3A_20 = tpu.memref_slice %arg5[%mul3A_2, %dma_wait3A_19] : memref<4096x768xf32, #tpu.memory_space<hbm>> -> memref<128x768xf32, #tpu.memory_space<hbm>>
      tpu.wait_dma2 semaphore(%run_scoped3A : memref<!tpu.dma_semaphore, #tpu.memory_space<semaphore_mem>>) src(%arg8 : memref<128x768xf32, #tpu.memory_space<vmem>>) dst(%dma_wait3A_20 : memref<128x768xf32, #tpu.memory_space<hbm>>)
      tpu.yield
    }) : () -> ()
    "tpu.region"() ({
      %run_scoped3A = tpu.sem_alloc : memref<!tpu.dma_semaphore, #tpu.memory_space<semaphore_mem>>
      %dma_start3A_13 = tpu.memref_slice %arg4[%mul3A_2] : memref<4096xi32, #tpu.memory_space<hbm>> -> memref<128xi32, #tpu.memory_space<hbm>>
      %dma_start3A_14 = tpu.memref_slice %arg4[%mul3A_2] : memref<4096xi32, #tpu.memory_space<hbm>> -> memref<128xi32, #tpu.memory_space<hbm>>
      tpu.enqueue_dma source(%dma_start3A_14 : memref<128xi32, #tpu.memory_space<hbm>>) target(%arg7 : memref<128xi32, #tpu.memory_space<vmem>>) target_semaphore(%run_scoped3A : memref<!tpu.dma_semaphore, #tpu.memory_space<semaphore_mem>>)
      %dma_wait3A_15 = tpu.memref_slice %arg4[%mul3A_2] : memref<4096xi32, #tpu.memory_space<hbm>> -> memref<128xi32, #tpu.memory_space<hbm>>
      %dma_wait3A_16 = tpu.memref_slice %arg4[%mul3A_2] : memref<4096xi32, #tpu.memory_space<hbm>> -> memref<128xi32, #tpu.memory_space<hbm>>
      tpu.wait_dma2 semaphore(%run_scoped3A : memref<!tpu.dma_semaphore, #tpu.memory_space<semaphore_mem>>) src(%dma_wait3A_16 : memref<128xi32, #tpu.memory_space<hbm>>) dst(%arg7 : memref<128xi32, #tpu.memory_space<vmem>>)
      tpu.yield
    }) : () -> ()
    %dma_start3A_7 = arith.constant 0 : i32
    %dma_start3A_8 = arith.constant 0 : i32
    %dma_start3A_9 = tpu.memref_slice %arg2[%dma_start3A_7, %dma_start3A_8] : memref<8192x768xf32, #tpu.memory_space<hbm>> -> memref<8192x768xf32, #tpu.memory_space<hbm>>
    tpu.enqueue_indirect_dma source(%dma_start3A_9 : memref<8192x768xf32, #tpu.memory_space<hbm>>) target(%arg8 : memref<128x768xf32, #tpu.memory_space<vmem>>) offsets(%arg7 : memref<128xi32, #tpu.memory_space<vmem>>) semaphore(%arg9 : memref<!tpu.dma_semaphore, #tpu.memory_space<semaphore_mem>>)
    %dma_wait3A_10 = arith.constant 0 : i32
    %dma_wait3A_11 = arith.constant 0 : i32
    %dma_wait3A_12 = tpu.memref_slice %arg2[%dma_wait3A_10, %dma_wait3A_11] : memref<8192x768xf32, #tpu.memory_space<hbm>> -> memref<8192x768xf32, #tpu.memory_space<hbm>>
    tpu.wait_indirect_dma semaphore(%arg9 : memref<!tpu.dma_semaphore, #tpu.memory_space<semaphore_mem>>) src(%dma_wait3A_12 : memref<8192x768xf32, #tpu.memory_space<hbm>>) dst(%arg8 : memref<128x768xf32, #tpu.memory_space<vmem>>)
    "tpu.region"() ({
      %run_scoped3A = tpu.sem_alloc : memref<!tpu.dma_semaphore, #tpu.memory_space<semaphore_mem>>
      %dma_start3A_13 = arith.constant 0 : i32
      %dma_start3A_14 = tpu.memref_slice %arg6[%mul3A_2, %dma_start3A_13] : memref<4096x768xf32, #tpu.memory_space<hbm>> -> memref<128x768xf32, #tpu.memory_space<hbm>>
      %dma_start3A_15 = arith.constant 0 : i32
      %dma_start3A_16 = tpu.memref_slice %arg6[%mul3A_2, %dma_start3A_15] : memref<4096x768xf32, #tpu.memory_space<hbm>> -> memref<128x768xf32, #tpu.memory_space<hbm>>
      tpu.enqueue_dma source(%arg8 : memref<128x768xf32, #tpu.memory_space<vmem>>) target(%dma_start3A_16 : memref<128x768xf32, #tpu.memory_space<hbm>>) target_semaphore(%run_scoped3A : memref<!tpu.dma_semaphore, #tpu.memory_space<semaphore_mem>>)
      %dma_wait3A_17 = arith.constant 0 : i32
      %dma_wait3A_18 = tpu.memref_slice %arg6[%mul3A_2, %dma_wait3A_17] : memref<4096x768xf32, #tpu.memory_space<hbm>> -> memref<128x768xf32, #tpu.memory_space<hbm>>
      %dma_wait3A_19 = arith.constant 0 : i32
      %dma_wait3A_20 = tpu.memref_slice %arg6[%mul3A_2, %dma_wait3A_19] : memref<4096x768xf32, #tpu.memory_space<hbm>> -> memref<128x768xf32, #tpu.memory_space<hbm>>
      tpu.wait_dma2 semaphore(%run_scoped3A : memref<!tpu.dma_semaphore, #tpu.memory_space<semaphore_mem>>) src(%arg8 : memref<128x768xf32, #tpu.memory_space<vmem>>) dst(%dma_wait3A_20 : memref<128x768xf32, #tpu.memory_space<hbm>>)
      tpu.yield
    }) : () -> ()
    return
  }
}

module attributes {stable_mosaic.version = 14 : i64} {
  func.func @_proj_kernel(%arg0: i32, %arg1: memref<1024x768xf32, #tpu.memory_space<vmem>>, %arg2: memref<1536x768xbf16, #tpu.memory_space<vmem>>, %arg3: memref<1024x1536xbf16, #tpu.memory_space<vmem>>) attributes {dimension_semantics = [#tpu.dimension_semantics<arbitrary>], iteration_bounds = array<i64: 8>, scalar_prefetch = 0 : i64, scratch_operands = 0 : i64, tpu.core_type = #tpu.core_type<tc>, window_params = [{transform_indices = @transform_0, window_bounds = array<i64: 1024, 768>}, {pipeline_mode = #tpu.pipeline_mode<synchronous>, transform_indices = @transform_1, window_bounds = array<i64: 1536, 768>}, {transform_indices = @transform_2, window_bounds = array<i64: 1024, 1536>}]} {
    %get3A = arith.constant 0 : index
    %get3A_0 = arith.constant 0 : index
    %get3A_1 = vector.load %arg1[%get3A, %get3A_0] : memref<1024x768xf32, #tpu.memory_space<vmem>>, vector<1024x768xf32>
    %get3A_2 = arith.constant 0 : index
    %get3A_3 = arith.constant 0 : index
    %get3A_4 = vector.load %arg2[%get3A_2, %get3A_3] : memref<1536x768xbf16, #tpu.memory_space<vmem>>, vector<1536x768xbf16>
    %convert_element_type3A = arith.truncf %get3A_1 : vector<1024x768xf32> to vector<1024x768xbf16>
    %dot_general3A = arith.constant dense<0.000000e+00> : vector<1024x1536xf32>
    %dot_general3A_5 = tpu.matmul %convert_element_type3A, %get3A_4, %dot_general3A {dimension_numbers = #tpu.dot_dimension_numbers<[1], [1], [0], [0], [0, 0, 1, 0], [], []>, transpose_lhs_hint = false} : vector<1024x768xbf16>, vector<1536x768xbf16>, vector<1024x1536xf32> -> vector<1024x1536xf32>
    %convert_element_type3A_6 = arith.truncf %dot_general3A_5 : vector<1024x1536xf32> to vector<1024x1536xbf16>
    %swap3A = arith.constant 0 : index
    %swap3A_7 = arith.constant 0 : index
    %swap3A_8 = vector.load %arg3[%swap3A, %swap3A_7] : memref<1024x1536xbf16, #tpu.memory_space<vmem>>, vector<1024x1536xbf16>
    tpu.vector_store %arg3[%swap3A, %swap3A_7], %convert_element_type3A_6 {strides = array<i32>} : memref<1024x1536xbf16, #tpu.memory_space<vmem>>, vector<1024x1536xbf16>,
    return
  }
  func.func @transform_0(%arg0: i32) -> (i32, i32) {
    %c0_i32 = arith.constant 0 : i32
    %c0_i32_0 = arith.constant 0 : i32
    return %arg0, %c0_i32 : i32, i32
  }
  func.func @transform_1(%arg0: i32) -> (i32, i32) {
    %c0_i32 = arith.constant 0 : i32
    %c0_i32_0 = arith.constant 0 : i32
    %c0_i32_1 = arith.constant 0 : i32
    return %c0_i32, %c0_i32_0 : i32, i32
  }
  func.func @transform_2(%arg0: i32) -> (i32, i32) {
    %c0_i32 = arith.constant 0 : i32
    %c0_i32_0 = arith.constant 0 : i32
    return %arg0, %c0_i32 : i32, i32
  }
}

module attributes {stable_mosaic.version = 14 : i64} {
  func.func @_proj_kernel(%arg0: i32, %arg1: memref<1024x768xf32, #tpu.memory_space<vmem>>, %arg2: memref<768x768xbf16, #tpu.memory_space<vmem>>, %arg3: memref<1024x768xbf16, #tpu.memory_space<vmem>>) attributes {dimension_semantics = [#tpu.dimension_semantics<arbitrary>], iteration_bounds = array<i64: 4>, scalar_prefetch = 0 : i64, scratch_operands = 0 : i64, tpu.core_type = #tpu.core_type<tc>, window_params = [{transform_indices = @transform_0, window_bounds = array<i64: 1024, 768>}, {pipeline_mode = #tpu.pipeline_mode<synchronous>, transform_indices = @transform_1, window_bounds = array<i64: 768, 768>}, {transform_indices = @transform_2, window_bounds = array<i64: 1024, 768>}]} {
    %get3A = arith.constant 0 : index
    %get3A_0 = arith.constant 0 : index
    %get3A_1 = vector.load %arg1[%get3A, %get3A_0] : memref<1024x768xf32, #tpu.memory_space<vmem>>, vector<1024x768xf32>
    %get3A_2 = arith.constant 0 : index
    %get3A_3 = arith.constant 0 : index
    %get3A_4 = vector.load %arg2[%get3A_2, %get3A_3] : memref<768x768xbf16, #tpu.memory_space<vmem>>, vector<768x768xbf16>
    %convert_element_type3A = arith.truncf %get3A_1 : vector<1024x768xf32> to vector<1024x768xbf16>
    %dot_general3A = arith.constant dense<0.000000e+00> : vector<1024x768xf32>
    %dot_general3A_5 = tpu.matmul %convert_element_type3A, %get3A_4, %dot_general3A {dimension_numbers = #tpu.dot_dimension_numbers<[1], [1], [0], [0], [0, 0, 1, 0], [], []>, transpose_lhs_hint = false} : vector<1024x768xbf16>, vector<768x768xbf16>, vector<1024x768xf32> -> vector<1024x768xf32>
    %convert_element_type3A_6 = arith.truncf %dot_general3A_5 : vector<1024x768xf32> to vector<1024x768xbf16>
    %swap3A = arith.constant 0 : index
    %swap3A_7 = arith.constant 0 : index
    %swap3A_8 = vector.load %arg3[%swap3A, %swap3A_7] : memref<1024x768xbf16, #tpu.memory_space<vmem>>, vector<1024x768xbf16>
    tpu.vector_store %arg3[%swap3A, %swap3A_7], %convert_element_type3A_6 {strides = array<i32>} : memref<1024x768xbf16, #tpu.memory_space<vmem>>, vector<1024x768xbf16>,
    return
  }
  func.func @transform_0(%arg0: i32) -> (i32, i32) {
    %c0_i32 = arith.constant 0 : i32
    %c0_i32_0 = arith.constant 0 : i32
    return %arg0, %c0_i32 : i32, i32
  }
  func.func @transform_1(%arg0: i32) -> (i32, i32) {
    %c0_i32 = arith.constant 0 : i32
    %c0_i32_0 = arith.constant 0 : i32
    %c0_i32_1 = arith.constant 0 : i32
    return %c0_i32, %c0_i32_0 : i32, i32
  }
  func.func @transform_2(%arg0: i32) -> (i32, i32) {
    %c0_i32 = arith.constant 0 : i32
    %c0_i32_0 = arith.constant 0 : i32
    return %arg0, %c0_i32 : i32, i32
  }
}

module attributes {stable_mosaic.version = 14 : i64} {
  func.func @_attn_kernel(%arg0: i32, %arg1: i32, %arg2: memref<1x128x64xbf16, #tpu.memory_space<vmem>>, %arg3: memref<1x4096x64xbf16, #tpu.memory_space<vmem>>, %arg4: memref<1x4096x64xbf16, #tpu.memory_space<vmem>>, %arg5: memref<64x2176xbf16, #tpu.memory_space<vmem>>, %arg6: memref<128x2176xbf16, #tpu.memory_space<vmem>>, %arg7: memref<1x128x64xbf16, #tpu.memory_space<vmem>>) attributes {dimension_semantics = [#tpu.dimension_semantics<arbitrary>, #tpu.dimension_semantics<arbitrary>], iteration_bounds = array<i64: 24, 16>, scalar_prefetch = 0 : i64, scratch_operands = 0 : i64, tpu.core_type = #tpu.core_type<tc>, window_params = [{transform_indices = @transform_0, window_bounds = array<i64: 1, 128, 64>}, {transform_indices = @transform_1, window_bounds = array<i64: 1, 4096, 64>}, {transform_indices = @transform_2, window_bounds = array<i64: 1, 4096, 64>}, {pipeline_mode = #tpu.pipeline_mode<synchronous>, transform_indices = @transform_3, window_bounds = array<i64: 64, 2176>}, {pipeline_mode = #tpu.pipeline_mode<synchronous>, transform_indices = @transform_4, window_bounds = array<i64: 128, 2176>}, {transform_indices = @transform_5, window_bounds = array<i64: 1, 128, 64>}]} {
    %mul3A = arith.constant 128 : i32
    %mul3A_0 = arith.muli %arg1, %mul3A : i32
    %get3A = arith.constant 0 : index
    %get3A_1 = arith.constant 0 : index
    %get3A_2 = arith.constant 0 : index
    %get3A_3 = vector.load %arg2[%get3A, %get3A_1, %get3A_2] : memref<1x128x64xbf16, #tpu.memory_space<vmem>>, vector<1x128x64xbf16>
    %get3A_4 = vector.shape_cast %get3A_3 : vector<1x128x64xbf16> to vector<128x64xbf16>
    %convert_element_type3A = arith.extf %get3A_4 : vector<128x64xbf16> to vector<128x64xf32>
    %mul3A_5 = arith.constant 1.250000e-01 : f32
    %mul3A_6 = vector.broadcast %mul3A_5 : f32 to vector<128x64xf32>
    %mul3A_7 = arith.mulf %convert_element_type3A, %mul3A_6 : vector<128x64xf32>
    %get3A_8 = arith.constant 0 : index
    %get3A_9 = arith.index_cast %mul3A_0 : i32 to index
    %get3A_10 = arith.constant 0 : index
    %get3A_11 = vector.load %arg3[%get3A_8, %get3A_9, %get3A_10] : memref<1x4096x64xbf16, #tpu.memory_space<vmem>>, vector<1x2176x64xbf16>
    %get3A_12 = vector.shape_cast %get3A_11 : vector<1x2176x64xbf16> to vector<2176x64xbf16>
    %get3A_13 = arith.constant 0 : index
    %get3A_14 = arith.index_cast %mul3A_0 : i32 to index
    %get3A_15 = arith.constant 0 : index
    %get3A_16 = vector.load %arg4[%get3A_13, %get3A_14, %get3A_15] : memref<1x4096x64xbf16, #tpu.memory_space<vmem>>, vector<1x2176x64xbf16>
    %get3A_17 = vector.shape_cast %get3A_16 : vector<1x2176x64xbf16> to vector<2176x64xbf16>
    %convert_element_type3A_18 = arith.truncf %mul3A_7 : vector<128x64xf32> to vector<128x64xbf16>
    %dot_general3A = arith.constant dense<0.000000e+00> : vector<128x2176xf32>
    %dot_general3A_19 = tpu.matmul %convert_element_type3A_18, %get3A_12, %dot_general3A {dimension_numbers = #tpu.dot_dimension_numbers<[1], [1], [0], [0], [0, 0, 1, 0], [], []>, transpose_lhs_hint = false} : vector<128x64xbf16>, vector<2176x64xbf16>, vector<128x2176xf32> -> vector<128x2176xf32>
    %convert_element_type3A_20 = arith.truncf %dot_general3A_19 : vector<128x2176xf32> to vector<128x2176xbf16>
    %get3A_21 = arith.constant 0 : index
    %get3A_22 = arith.constant 0 : index
    %get3A_23 = vector.load %arg5[%get3A_21, %get3A_22] : memref<64x2176xbf16, #tpu.memory_space<vmem>>, vector<64x2176xbf16>
    %convert_element_type3A_24 = arith.truncf %mul3A_7 : vector<128x64xf32> to vector<128x64xbf16>
    %dot_general3A_25 = arith.constant dense<0.000000e+00> : vector<128x2176xf32>
    %dot_general3A_26 = tpu.matmul %convert_element_type3A_24, %get3A_23, %dot_general3A_25 {dimension_numbers = #tpu.dot_dimension_numbers<[1], [0], [0], [1], [0, 0, 1, 1], [], []>, transpose_lhs_hint = false} : vector<128x64xbf16>, vector<64x2176xbf16>, vector<128x2176xf32> -> vector<128x2176xf32>
    %convert_element_type3A_27 = arith.truncf %dot_general3A_26 : vector<128x2176xf32> to vector<128x2176xbf16>
    %iota3A = tpu.iota {dimensions = array<i32: 0>} : vector<128x2176xi16>
    %and3A = arith.constant 1 : i16
    %and3A_28 = vector.broadcast %and3A : i16 to vector<128x2176xi16>
    %and3A_29 = arith.andi %iota3A, %and3A_28 : vector<128x2176xi16>
    %ne3A = arith.constant 0 : i16
    %ne3A_30 = vector.broadcast %ne3A : i16 to vector<128x2176xi16>
    %ne3A_31 = arith.cmpi ne, %and3A_29, %ne3A_30 : vector<128x2176xi16>
    %slice3A = vector.extract_strided_slice %convert_element_type3A_27 {offsets = [0, 2175], sizes = [128, 1], strides = [1, 1]} : vector<128x2176xbf16> to vector<128x1xbf16>
    %slice3A_32 = vector.extract_strided_slice %convert_element_type3A_27 {offsets = [0, 0], sizes = [128, 2175], strides = [1, 1]} : vector<128x2176xbf16> to vector<128x2175xbf16>
    %concatenate3A = tpu.concatenate %slice3A, %slice3A_32 in 1 : vector<128x1xbf16>, vector<128x2175xbf16> -> vector<128x2176xbf16>
    %select_n3A = arith.select %ne3A_31, %concatenate3A, %convert_element_type3A_27 : vector<128x2176xi1>, vector<128x2176xbf16>
    %and3A_33 = arith.constant 2 : i16
    %and3A_34 = vector.broadcast %and3A_33 : i16 to vector<128x2176xi16>
    %and3A_35 = arith.andi %iota3A, %and3A_34 : vector<128x2176xi16>
    %ne3A_36 = arith.constant 0 : i16
    %ne3A_37 = vector.broadcast %ne3A_36 : i16 to vector<128x2176xi16>
    %ne3A_38 = arith.cmpi ne, %and3A_35, %ne3A_37 : vector<128x2176xi16>
    %slice3A_39 = vector.extract_strided_slice %select_n3A {offsets = [0, 2174], sizes = [128, 2], strides = [1, 1]} : vector<128x2176xbf16> to vector<128x2xbf16>
    %slice3A_40 = vector.extract_strided_slice %select_n3A {offsets = [0, 0], sizes = [128, 2174], strides = [1, 1]} : vector<128x2176xbf16> to vector<128x2174xbf16>
    %concatenate3A_41 = tpu.concatenate %slice3A_39, %slice3A_40 in 1 : vector<128x2xbf16>, vector<128x2174xbf16> -> vector<128x2176xbf16>
    %select_n3A_42 = arith.select %ne3A_38, %concatenate3A_41, %select_n3A : vector<128x2176xi1>, vector<128x2176xbf16>
    %and3A_43 = arith.constant 4 : i16
    %and3A_44 = vector.broadcast %and3A_43 : i16 to vector<128x2176xi16>
    %and3A_45 = arith.andi %iota3A, %and3A_44 : vector<128x2176xi16>
    %ne3A_46 = arith.constant 0 : i16
    %ne3A_47 = vector.broadcast %ne3A_46 : i16 to vector<128x2176xi16>
    %ne3A_48 = arith.cmpi ne, %and3A_45, %ne3A_47 : vector<128x2176xi16>
    %slice3A_49 = vector.extract_strided_slice %select_n3A_42 {offsets = [0, 2172], sizes = [128, 4], strides = [1, 1]} : vector<128x2176xbf16> to vector<128x4xbf16>
    %slice3A_50 = vector.extract_strided_slice %select_n3A_42 {offsets = [0, 0], sizes = [128, 2172], strides = [1, 1]} : vector<128x2176xbf16> to vector<128x2172xbf16>
    %concatenate3A_51 = tpu.concatenate %slice3A_49, %slice3A_50 in 1 : vector<128x4xbf16>, vector<128x2172xbf16> -> vector<128x2176xbf16>
    %select_n3A_52 = arith.select %ne3A_48, %concatenate3A_51, %select_n3A_42 : vector<128x2176xi1>, vector<128x2176xbf16>
    %and3A_53 = arith.constant 8 : i16
    %and3A_54 = vector.broadcast %and3A_53 : i16 to vector<128x2176xi16>
    %and3A_55 = arith.andi %iota3A, %and3A_54 : vector<128x2176xi16>
    %ne3A_56 = arith.constant 0 : i16
    %ne3A_57 = vector.broadcast %ne3A_56 : i16 to vector<128x2176xi16>
    %ne3A_58 = arith.cmpi ne, %and3A_55, %ne3A_57 : vector<128x2176xi16>
    %slice3A_59 = vector.extract_strided_slice %select_n3A_52 {offsets = [0, 2168], sizes = [128, 8], strides = [1, 1]} : vector<128x2176xbf16> to vector<128x8xbf16>
    %slice3A_60 = vector.extract_strided_slice %select_n3A_52 {offsets = [0, 0], sizes = [128, 2168], strides = [1, 1]} : vector<128x2176xbf16> to vector<128x2168xbf16>
    %concatenate3A_61 = tpu.concatenate %slice3A_59, %slice3A_60 in 1 : vector<128x8xbf16>, vector<128x2168xbf16> -> vector<128x2176xbf16>
    %select_n3A_62 = arith.select %ne3A_58, %concatenate3A_61, %select_n3A_52 : vector<128x2176xi1>, vector<128x2176xbf16>
    %and3A_63 = arith.constant 16 : i16
    %and3A_64 = vector.broadcast %and3A_63 : i16 to vector<128x2176xi16>
    %and3A_65 = arith.andi %iota3A, %and3A_64 : vector<128x2176xi16>
    %ne3A_66 = arith.constant 0 : i16
    %ne3A_67 = vector.broadcast %ne3A_66 : i16 to vector<128x2176xi16>
    %ne3A_68 = arith.cmpi ne, %and3A_65, %ne3A_67 : vector<128x2176xi16>
    %slice3A_69 = vector.extract_strided_slice %select_n3A_62 {offsets = [0, 2160], sizes = [128, 16], strides = [1, 1]} : vector<128x2176xbf16> to vector<128x16xbf16>
    %slice3A_70 = vector.extract_strided_slice %select_n3A_62 {offsets = [0, 0], sizes = [128, 2160], strides = [1, 1]} : vector<128x2176xbf16> to vector<128x2160xbf16>
    %concatenate3A_71 = tpu.concatenate %slice3A_69, %slice3A_70 in 1 : vector<128x16xbf16>, vector<128x2160xbf16> -> vector<128x2176xbf16>
    %select_n3A_72 = arith.select %ne3A_68, %concatenate3A_71, %select_n3A_62 : vector<128x2176xi1>, vector<128x2176xbf16>
    %and3A_73 = arith.constant 32 : i16
    %and3A_74 = vector.broadcast %and3A_73 : i16 to vector<128x2176xi16>
    %and3A_75 = arith.andi %iota3A, %and3A_74 : vector<128x2176xi16>
    %ne3A_76 = arith.constant 0 : i16
    %ne3A_77 = vector.broadcast %ne3A_76 : i16 to vector<128x2176xi16>
    %ne3A_78 = arith.cmpi ne, %and3A_75, %ne3A_77 : vector<128x2176xi16>
    %slice3A_79 = vector.extract_strided_slice %select_n3A_72 {offsets = [0, 2144], sizes = [128, 32], strides = [1, 1]} : vector<128x2176xbf16> to vector<128x32xbf16>
    %slice3A_80 = vector.extract_strided_slice %select_n3A_72 {offsets = [0, 0], sizes = [128, 2144], strides = [1, 1]} : vector<128x2176xbf16> to vector<128x2144xbf16>
    %concatenate3A_81 = tpu.concatenate %slice3A_79, %slice3A_80 in 1 : vector<128x32xbf16>, vector<128x2144xbf16> -> vector<128x2176xbf16>
    %select_n3A_82 = arith.select %ne3A_78, %concatenate3A_81, %select_n3A_72 : vector<128x2176xi1>, vector<128x2176xbf16>
    %and3A_83 = arith.constant 64 : i16
    %and3A_84 = vector.broadcast %and3A_83 : i16 to vector<128x2176xi16>
    %and3A_85 = arith.andi %iota3A, %and3A_84 : vector<128x2176xi16>
    %ne3A_86 = arith.constant 0 : i16
    %ne3A_87 = vector.broadcast %ne3A_86 : i16 to vector<128x2176xi16>
    %ne3A_88 = arith.cmpi ne, %and3A_85, %ne3A_87 : vector<128x2176xi16>
    %slice3A_89 = vector.extract_strided_slice %select_n3A_82 {offsets = [0, 2112], sizes = [128, 64], strides = [1, 1]} : vector<128x2176xbf16> to vector<128x64xbf16>
    %slice3A_90 = vector.extract_strided_slice %select_n3A_82 {offsets = [0, 0], sizes = [128, 2112], strides = [1, 1]} : vector<128x2176xbf16> to vector<128x2112xbf16>
    %concatenate3A_91 = tpu.concatenate %slice3A_89, %slice3A_90 in 1 : vector<128x64xbf16>, vector<128x2112xbf16> -> vector<128x2176xbf16>
    %select_n3A_92 = arith.select %ne3A_88, %concatenate3A_91, %select_n3A_82 : vector<128x2176xi1>, vector<128x2176xbf16>
    %add3A = arith.addf %convert_element_type3A_20, %select_n3A_92 : vector<128x2176xbf16>
    %get3A_93 = arith.constant 0 : index
    %get3A_94 = arith.constant 0 : index
    %get3A_95 = vector.load %arg6[%get3A_93, %get3A_94] : memref<128x2176xbf16, #tpu.memory_space<vmem>>, vector<128x2176xbf16>
    %add3A_96 = arith.addf %add3A, %get3A_95 : vector<128x2176xbf16>
    %reduce_max3A = arith.constant dense<0xFF80> : vector<128xbf16>
    %reduce_max3A_97 = vector.multi_reduction <maximumf>, %add3A_96, %reduce_max3A [1] : vector<128x2176xbf16> to vector<128xbf16>
    %broadcast_in_dim3A = vector.shape_cast %reduce_max3A_97 : vector<128xbf16> to vector<128x1xbf16>
    %sub3A = vector.broadcast %broadcast_in_dim3A : vector<128x1xbf16> to vector<128x2176xbf16>
    %sub3A_98 = arith.subf %add3A_96, %sub3A : vector<128x2176xbf16>
    %exp3A = math.exp %sub3A_98 : vector<128x2176xbf16>
    %convert_element_type3A_99 = arith.extf %exp3A : vector<128x2176xbf16> to vector<128x2176xf32>
    %reduce_sum3A = arith.constant dense<0.000000e+00> : vector<128xf32>
    %reduce_sum3A_100 = vector.multi_reduction <add>, %convert_element_type3A_99, %reduce_sum3A [1] : vector<128x2176xf32> to vector<128xf32>
    %broadcast_in_dim3A_101 = vector.shape_cast %reduce_sum3A_100 : vector<128xf32> to vector<128x1xf32>
    %dot_general3A_102 = arith.constant dense<0.000000e+00> : vector<128x64xf32>
    %dot_general3A_103 = tpu.matmul %exp3A, %get3A_17, %dot_general3A_102 {dimension_numbers = #tpu.dot_dimension_numbers<[1], [0], [0], [1], [0, 0, 1, 1], [], []>, transpose_lhs_hint = false} : vector<128x2176xbf16>, vector<2176x64xbf16>, vector<128x64xf32> -> vector<128x64xf32>
    %div3A = vector.broadcast %broadcast_in_dim3A_101 : vector<128x1xf32> to vector<128x64xf32>
    %div3A_104 = arith.divf %dot_general3A_103, %div3A : vector<128x64xf32>
    %convert_element_type3A_105 = arith.truncf %div3A_104 : vector<128x64xf32> to vector<128x64xbf16>
    %swap3A = arith.constant 0 : index
    %swap3A_106 = arith.constant 0 : index
    %swap3A_107 = arith.constant 0 : index
    %swap3A_108 = vector.load %arg7[%swap3A, %swap3A_106, %swap3A_107] : memref<1x128x64xbf16, #tpu.memory_space<vmem>>, vector<1x128x64xbf16>
    %swap3A_109 = vector.shape_cast %swap3A_108 : vector<1x128x64xbf16> to vector<128x64xbf16>
    %swap3A_110 = vector.shape_cast %convert_element_type3A_105 : vector<128x64xbf16> to vector<1x128x64xbf16>
    tpu.vector_store %arg7[%swap3A, %swap3A_106, %swap3A_107], %swap3A_110 {strides = array<i32>} : memref<1x128x64xbf16, #tpu.memory_space<vmem>>, vector<1x128x64xbf16>,
    return
  }
  func.func @transform_0(%arg0: i32, %arg1: i32) -> (i32, i32, i32) {
    %c0_i32 = arith.constant 0 : i32
    %c0_i32_0 = arith.constant 0 : i32
    return %arg0, %arg1, %c0_i32 : i32, i32, i32
  }
  func.func @transform_1(%arg0: i32, %arg1: i32) -> (i32, i32, i32) {
    %c0_i32 = arith.constant 0 : i32
    %c0_i32_0 = arith.constant 0 : i32
    %c0_i32_1 = arith.constant 0 : i32
    return %arg0, %c0_i32, %c0_i32_0 : i32, i32, i32
  }
  func.func @transform_2(%arg0: i32, %arg1: i32) -> (i32, i32, i32) {
    %c0_i32 = arith.constant 0 : i32
    %c0_i32_0 = arith.constant 0 : i32
    %c0_i32_1 = arith.constant 0 : i32
    return %arg0, %c0_i32, %c0_i32_0 : i32, i32, i32
  }
  func.func @transform_3(%arg0: i32, %arg1: i32) -> (i32, i32) {
    %c0_i32 = arith.constant 0 : i32
    %c0_i32_0 = arith.constant 0 : i32
    %c0_i32_1 = arith.constant 0 : i32
    return %c0_i32, %c0_i32_0 : i32, i32
  }
  func.func @transform_4(%arg0: i32, %arg1: i32) -> (i32, i32) {
    %c0_i32 = arith.constant 0 : i32
    %c0_i32_0 = arith.constant 0 : i32
    %c0_i32_1 = arith.constant 0 : i32
    return %c0_i32, %c0_i32_0 : i32, i32
  }
  func.func @transform_5(%arg0: i32, %arg1: i32) -> (i32, i32, i32) {
    %c0_i32 = arith.constant 0 : i32
    %c0_i32_0 = arith.constant 0 : i32
    return %arg0, %arg1, %c0_i32 : i32, i32, i32
  }
}

module attributes {stable_mosaic.version = 14 : i64} {
  func.func @_wo_ln_kernel(%arg0: i32, %arg1: memref<1024x768xbf16, #tpu.memory_space<vmem>>, %arg2: memref<1024x768xf32, #tpu.memory_space<vmem>>, %arg3: memref<768x768xbf16, #tpu.memory_space<vmem>>, %arg4: memref<1x768xf32, #tpu.memory_space<vmem>>, %arg5: memref<1x768xf32, #tpu.memory_space<vmem>>, %arg6: memref<1024x768xf32, #tpu.memory_space<vmem>>) attributes {dimension_semantics = [#tpu.dimension_semantics<arbitrary>], iteration_bounds = array<i64: 4>, scalar_prefetch = 0 : i64, scratch_operands = 0 : i64, tpu.core_type = #tpu.core_type<tc>, window_params = [{transform_indices = @transform_0, window_bounds = array<i64: 1024, 768>}, {transform_indices = @transform_1, window_bounds = array<i64: 1024, 768>}, {pipeline_mode = #tpu.pipeline_mode<synchronous>, transform_indices = @transform_2, window_bounds = array<i64: 768, 768>}, {pipeline_mode = #tpu.pipeline_mode<synchronous>, transform_indices = @transform_3, window_bounds = array<i64: 1, 768>}, {pipeline_mode = #tpu.pipeline_mode<synchronous>, transform_indices = @transform_4, window_bounds = array<i64: 1, 768>}, {transform_indices = @transform_5, window_bounds = array<i64: 1024, 768>}]} {
    %get3A = arith.constant 0 : index
    %get3A_0 = arith.constant 0 : index
    %get3A_1 = vector.load %arg2[%get3A, %get3A_0] : memref<1024x768xf32, #tpu.memory_space<vmem>>, vector<1024x768xf32>
    %get3A_2 = arith.constant 0 : index
    %get3A_3 = arith.constant 0 : index
    %get3A_4 = vector.load %arg1[%get3A_2, %get3A_3] : memref<1024x768xbf16, #tpu.memory_space<vmem>>, vector<1024x768xbf16>
    %get3A_5 = arith.constant 0 : index
    %get3A_6 = arith.constant 0 : index
    %get3A_7 = vector.load %arg3[%get3A_5, %get3A_6] : memref<768x768xbf16, #tpu.memory_space<vmem>>, vector<768x768xbf16>
    %dot_general3A = arith.constant dense<0.000000e+00> : vector<1024x768xf32>
    %dot_general3A_8 = tpu.matmul %get3A_4, %get3A_7, %dot_general3A {dimension_numbers = #tpu.dot_dimension_numbers<[1], [1], [0], [0], [0, 0, 1, 0], [], []>, transpose_lhs_hint = false} : vector<1024x768xbf16>, vector<768x768xbf16>, vector<1024x768xf32> -> vector<1024x768xf32>
    %add3A = arith.addf %get3A_1, %dot_general3A_8 : vector<1024x768xf32>
    %get3A_9 = arith.constant 0 : index
    %get3A_10 = arith.constant 0 : index
    %get3A_11 = vector.load %arg4[%get3A_9, %get3A_10] : memref<1x768xf32, #tpu.memory_space<vmem>>, vector<1x768xf32>
    %get3A_12 = arith.constant 0 : index
    %get3A_13 = arith.constant 0 : index
    %get3A_14 = vector.load %arg5[%get3A_12, %get3A_13] : memref<1x768xf32, #tpu.memory_space<vmem>>, vector<1x768xf32>
    %reduce_sum3A = arith.constant dense<0.000000e+00> : vector<1024xf32>
    %reduce_sum3A_15 = vector.multi_reduction <add>, %add3A, %reduce_sum3A [1] : vector<1024x768xf32> to vector<1024xf32>
    %broadcast_in_dim3A = vector.shape_cast %reduce_sum3A_15 : vector<1024xf32> to vector<1024x1xf32>
    %div3A = arith.constant 7.680000e+02 : f32
    %div3A_16 = vector.broadcast %div3A : f32 to vector<1024x1xf32>
    %div3A_17 = arith.divf %broadcast_in_dim3A, %div3A_16 : vector<1024x1xf32>
    %sub3A = vector.broadcast %div3A_17 : vector<1024x1xf32> to vector<1024x768xf32>
    %sub3A_18 = arith.subf %add3A, %sub3A : vector<1024x768xf32>
    %mul3A = arith.mulf %sub3A_18, %sub3A_18 : vector<1024x768xf32>
    %reduce_sum3A_19 = arith.constant dense<0.000000e+00> : vector<1024xf32>
    %reduce_sum3A_20 = vector.multi_reduction <add>, %mul3A, %reduce_sum3A_19 [1] : vector<1024x768xf32> to vector<1024xf32>
    %broadcast_in_dim3A_21 = vector.shape_cast %reduce_sum3A_20 : vector<1024xf32> to vector<1024x1xf32>
    %div3A_22 = arith.constant 7.680000e+02 : f32
    %div3A_23 = vector.broadcast %div3A_22 : f32 to vector<1024x1xf32>
    %div3A_24 = arith.divf %broadcast_in_dim3A_21, %div3A_23 : vector<1024x1xf32>
    %add3A_25 = arith.constant 9.99999974E-6 : f32
    %add3A_26 = vector.broadcast %add3A_25 : f32 to vector<1024x1xf32>
    %add3A_27 = arith.addf %div3A_24, %add3A_26 : vector<1024x1xf32>
    %rsqrt3A = math.rsqrt %add3A_27 : vector<1024x1xf32>
    %mul3A_28 = vector.broadcast %rsqrt3A : vector<1024x1xf32> to vector<1024x768xf32>
    %mul3A_29 = arith.mulf %sub3A_18, %mul3A_28 : vector<1024x768xf32>
    %mul3A_30 = vector.broadcast %get3A_11 : vector<1x768xf32> to vector<1024x768xf32>
    %mul3A_31 = arith.mulf %mul3A_29, %mul3A_30 : vector<1024x768xf32>
    %add3A_32 = vector.broadcast %get3A_14 : vector<1x768xf32> to vector<1024x768xf32>
    %add3A_33 = arith.addf %mul3A_31, %add3A_32 : vector<1024x768xf32>
    %swap3A = arith.constant 0 : index
    %swap3A_34 = arith.constant 0 : index
    %swap3A_35 = vector.load %arg6[%swap3A, %swap3A_34] : memref<1024x768xf32, #tpu.memory_space<vmem>>, vector<1024x768xf32>
    tpu.vector_store %arg6[%swap3A, %swap3A_34], %add3A_33 {strides = array<i32>} : memref<1024x768xf32, #tpu.memory_space<vmem>>, vector<1024x768xf32>,
    return
  }
  func.func @transform_0(%arg0: i32) -> (i32, i32) {
    %c0_i32 = arith.constant 0 : i32
    %c0_i32_0 = arith.constant 0 : i32
    return %arg0, %c0_i32 : i32, i32
  }
  func.func @transform_1(%arg0: i32) -> (i32, i32) {
    %c0_i32 = arith.constant 0 : i32
    %c0_i32_0 = arith.constant 0 : i32
    return %arg0, %c0_i32 : i32, i32
  }
  func.func @transform_2(%arg0: i32) -> (i32, i32) {
    %c0_i32 = arith.constant 0 : i32
    %c0_i32_0 = arith.constant 0 : i32
    %c0_i32_1 = arith.constant 0 : i32
    return %c0_i32, %c0_i32_0 : i32, i32
  }
  func.func @transform_3(%arg0: i32) -> (i32, i32) {
    %c0_i32 = arith.constant 0 : i32
    %c0_i32_0 = arith.constant 0 : i32
    %c0_i32_1 = arith.constant 0 : i32
    return %c0_i32, %c0_i32_0 : i32, i32
  }
  func.func @transform_4(%arg0: i32) -> (i32, i32) {
    %c0_i32 = arith.constant 0 : i32
    %c0_i32_0 = arith.constant 0 : i32
    %c0_i32_1 = arith.constant 0 : i32
    return %c0_i32, %c0_i32_0 : i32, i32
  }
  func.func @transform_5(%arg0: i32) -> (i32, i32) {
    %c0_i32 = arith.constant 0 : i32
    %c0_i32_0 = arith.constant 0 : i32
    return %arg0, %c0_i32 : i32, i32
  }
}

module attributes {stable_mosaic.version = 14 : i64} {
  func.func @_router_kernel(%arg0: i32, %arg1: memref<1024x768xf32, #tpu.memory_space<vmem>>, %arg2: memref<8x768xf32, #tpu.memory_space<vmem>>, %arg3: memref<1x8xf32, #tpu.memory_space<vmem>>, %arg4: memref<1024x2xi32, #tpu.memory_space<vmem>>, %arg5: memref<1024x2xf32, #tpu.memory_space<vmem>>) attributes {dimension_semantics = [#tpu.dimension_semantics<arbitrary>], iteration_bounds = array<i64: 4>, scalar_prefetch = 0 : i64, scratch_operands = 0 : i64, tpu.core_type = #tpu.core_type<tc>, window_params = [{transform_indices = @transform_0, window_bounds = array<i64: 1024, 768>}, {pipeline_mode = #tpu.pipeline_mode<synchronous>, transform_indices = @transform_1, window_bounds = array<i64: 8, 768>}, {pipeline_mode = #tpu.pipeline_mode<synchronous>, transform_indices = @transform_2, window_bounds = array<i64: 1, 8>}, {transform_indices = @transform_3, window_bounds = array<i64: 1024, 2>}, {transform_indices = @transform_4, window_bounds = array<i64: 1024, 2>}]} {
    %get3A = arith.constant 0 : index
    %get3A_0 = arith.constant 0 : index
    %get3A_1 = vector.load %arg1[%get3A, %get3A_0] : memref<1024x768xf32, #tpu.memory_space<vmem>>, vector<1024x768xf32>
    %get3A_2 = arith.constant 0 : index
    %get3A_3 = arith.constant 0 : index
    %get3A_4 = vector.load %arg2[%get3A_2, %get3A_3] : memref<8x768xf32, #tpu.memory_space<vmem>>, vector<8x768xf32>
    %dot_general3A = arith.constant dense<0.000000e+00> : vector<1024x8xf32>
    %dot_general3A_5 = tpu.matmul %get3A_1, %get3A_4, %dot_general3A {dimension_numbers = #tpu.dot_dimension_numbers<[1], [1], [0], [0], [0, 0, 1, 0], [], []>, transpose_lhs_hint = false} : vector<1024x768xf32>, vector<8x768xf32>, vector<1024x8xf32> -> vector<1024x8xf32>
    %get3A_6 = arith.constant 0 : index
    %get3A_7 = arith.constant 0 : index
    %get3A_8 = vector.load %arg3[%get3A_6, %get3A_7] : memref<1x8xf32, #tpu.memory_space<vmem>>, vector<1x8xf32>
    %add3A = vector.broadcast %get3A_8 : vector<1x8xf32> to vector<1024x8xf32>
    %add3A_9 = arith.addf %dot_general3A_5, %add3A : vector<1024x8xf32>
    %iota3A = tpu.iota {dimensions = array<i32: 1>} : vector<1024x8xi32>
    %reduce_max3A = arith.constant dense<0xFF800000> : vector<1024xf32>
    %reduce_max3A_10 = vector.multi_reduction <maximumf>, %add3A_9, %reduce_max3A [1] : vector<1024x8xf32> to vector<1024xf32>
    %broadcast_in_dim3A = vector.shape_cast %reduce_max3A_10 : vector<1024xf32> to vector<1024x1xf32>
    %eq3A = vector.broadcast %broadcast_in_dim3A : vector<1024x1xf32> to vector<1024x8xf32>
    %eq3A_11 = arith.cmpf oeq, %add3A_9, %eq3A : vector<1024x8xf32>
    %jit3A = arith.constant 8 : i32
    %broadcast_in_dim3A_12 = vector.broadcast %jit3A : i32 to vector<1024x8xi32>
    %select_n3A = arith.select %eq3A_11, %iota3A, %broadcast_in_dim3A_12 : vector<1024x8xi1>, vector<1024x8xi32>
    %reduce_min3A = arith.constant dense<2147483647> : vector<1024xi32>
    %reduce_min3A_13 = vector.multi_reduction <minsi>, %select_n3A, %reduce_min3A [1] : vector<1024x8xi32> to vector<1024xi32>
    %broadcast_in_dim3A_14 = vector.shape_cast %reduce_min3A_13 : vector<1024xi32> to vector<1024x1xi32>
    %eq3A_15 = vector.broadcast %broadcast_in_dim3A_14 : vector<1024x1xi32> to vector<1024x8xi32>
    %eq3A_16 = arith.cmpi eq, %iota3A, %eq3A_15 : vector<1024x8xi32>
    %jit3A_17 = arith.constant 0xFF800000 : f32
    %broadcast_in_dim3A_18 = vector.broadcast %jit3A_17 : f32 to vector<1024x8xf32>
    %select_n3A_19 = arith.select %eq3A_16, %broadcast_in_dim3A_18, %add3A_9 : vector<1024x8xi1>, vector<1024x8xf32>
    %reduce_max3A_20 = arith.constant dense<0xFF800000> : vector<1024xf32>
    %reduce_max3A_21 = vector.multi_reduction <maximumf>, %select_n3A_19, %reduce_max3A_20 [1] : vector<1024x8xf32> to vector<1024xf32>
    %broadcast_in_dim3A_22 = vector.shape_cast %reduce_max3A_21 : vector<1024xf32> to vector<1024x1xf32>
    %eq3A_23 = vector.broadcast %broadcast_in_dim3A_22 : vector<1024x1xf32> to vector<1024x8xf32>
    %eq3A_24 = arith.cmpf oeq, %select_n3A_19, %eq3A_23 : vector<1024x8xf32>
    %jit3A_25 = arith.constant 8 : i32
    %broadcast_in_dim3A_26 = vector.broadcast %jit3A_25 : i32 to vector<1024x8xi32>
    %select_n3A_27 = arith.select %eq3A_24, %iota3A, %broadcast_in_dim3A_26 : vector<1024x8xi1>, vector<1024x8xi32>
    %reduce_min3A_28 = arith.constant dense<2147483647> : vector<1024xi32>
    %reduce_min3A_29 = vector.multi_reduction <minsi>, %select_n3A_27, %reduce_min3A_28 [1] : vector<1024x8xi32> to vector<1024xi32>
    %broadcast_in_dim3A_30 = vector.shape_cast %reduce_min3A_29 : vector<1024xi32> to vector<1024x1xi32>
    %sub3A = arith.subf %broadcast_in_dim3A_22, %broadcast_in_dim3A : vector<1024x1xf32>
    %exp3A = math.exp %sub3A : vector<1024x1xf32>
    %add3A_31 = arith.constant 1.000000e+00 : f32
    %add3A_32 = vector.broadcast %add3A_31 : f32 to vector<1024x1xf32>
    %add3A_33 = arith.addf %add3A_32, %exp3A : vector<1024x1xf32>
    %div3A = arith.constant 1.000000e+00 : f32
    %div3A_34 = vector.broadcast %div3A : f32 to vector<1024x1xf32>
    %div3A_35 = arith.divf %div3A_34, %add3A_33 : vector<1024x1xf32>
    %sub3A_36 = arith.constant 1.000000e+00 : f32
    %sub3A_37 = vector.broadcast %sub3A_36 : f32 to vector<1024x1xf32>
    %sub3A_38 = arith.subf %sub3A_37, %div3A_35 : vector<1024x1xf32>
    %concatenate3A = tpu.concatenate %broadcast_in_dim3A_14, %broadcast_in_dim3A_30 in 1 : vector<1024x1xi32>, vector<1024x1xi32> -> vector<1024x2xi32>
    %swap3A = arith.constant 0 : index
    %swap3A_39 = arith.constant 0 : index
    %swap3A_40 = vector.load %arg4[%swap3A, %swap3A_39] : memref<1024x2xi32, #tpu.memory_space<vmem>>, vector<1024x2xi32>
    tpu.vector_store %arg4[%swap3A, %swap3A_39], %concatenate3A {strides = array<i32>} : memref<1024x2xi32, #tpu.memory_space<vmem>>, vector<1024x2xi32>,
    %concatenate3A_41 = tpu.concatenate %div3A_35, %sub3A_38 in 1 : vector<1024x1xf32>, vector<1024x1xf32> -> vector<1024x2xf32>
    %swap3A_42 = arith.constant 0 : index
    %swap3A_43 = arith.constant 0 : index
    %swap3A_44 = vector.load %arg5[%swap3A_42, %swap3A_43] : memref<1024x2xf32, #tpu.memory_space<vmem>>, vector<1024x2xf32>
    tpu.vector_store %arg5[%swap3A_42, %swap3A_43], %concatenate3A_41 {strides = array<i32>} : memref<1024x2xf32, #tpu.memory_space<vmem>>, vector<1024x2xf32>,
    return
  }
  func.func @transform_0(%arg0: i32) -> (i32, i32) {
    %c0_i32 = arith.constant 0 : i32
    %c0_i32_0 = arith.constant 0 : i32
    return %arg0, %c0_i32 : i32, i32
  }
  func.func @transform_1(%arg0: i32) -> (i32, i32) {
    %c0_i32 = arith.constant 0 : i32
    %c0_i32_0 = arith.constant 0 : i32
    %c0_i32_1 = arith.constant 0 : i32
    return %c0_i32, %c0_i32_0 : i32, i32
  }
  func.func @transform_2(%arg0: i32) -> (i32, i32) {
    %c0_i32 = arith.constant 0 : i32
    %c0_i32_0 = arith.constant 0 : i32
    %c0_i32_1 = arith.constant 0 : i32
    return %c0_i32, %c0_i32_0 : i32, i32
  }
  func.func @transform_3(%arg0: i32) -> (i32, i32) {
    %c0_i32 = arith.constant 0 : i32
    %c0_i32_0 = arith.constant 0 : i32
    return %arg0, %c0_i32 : i32, i32
  }
  func.func @transform_4(%arg0: i32) -> (i32, i32) {
    %c0_i32 = arith.constant 0 : i32
    %c0_i32_0 = arith.constant 0 : i32
    return %arg0, %c0_i32 : i32, i32
  }
}

module attributes {stable_mosaic.version = 14 : i64} {
  func.func @_rank_kernel(%arg0: i32, %arg1: memref<1024x1xi32, #tpu.memory_space<vmem>>, %arg2: memref<1024x1xi32, #tpu.memory_space<vmem>>, %arg3: memref<1x8xi32, #tpu.memory_space<vmem>>, %arg4: memref<1x8xi32, #tpu.memory_space<vmem>>) attributes {dimension_semantics = [#tpu.dimension_semantics<arbitrary>], iteration_bounds = array<i64: 8>, scalar_prefetch = 0 : i64, scratch_operands = 1 : i64, tpu.core_type = #tpu.core_type<tc>, window_params = [{transform_indices = @transform_0, window_bounds = array<i64: 1024, 1>}, {transform_indices = @transform_1, window_bounds = array<i64: 1024, 1>}, {pipeline_mode = #tpu.pipeline_mode<synchronous>, transform_indices = @transform_2, window_bounds = array<i64: 1, 8>}]} {
    %eq3A = arith.constant 0 : i32
    %eq3A_0 = arith.cmpi eq, %arg0, %eq3A : i32
    %convert_element_type3A = arith.extui %eq3A_0 : i1 to i32
    %cond3A = arith.constant 0 : i32
    %cond3A_1 = arith.cmpi ne, %convert_element_type3A, %cond3A : i32
    scf.if %cond3A_1 {
      %broadcast_in_dim3A_78 = arith.constant 0 : i32
      %broadcast_in_dim3A_79 = vector.broadcast %broadcast_in_dim3A_78 : i32 to vector<1x8xi32>
      %swap3A_80 = arith.constant 0 : index
      %swap3A_81 = arith.constant 0 : index
      %swap3A_82 = vector.load %arg4[%swap3A_80, %swap3A_81] : memref<1x8xi32, #tpu.memory_space<vmem>>, vector<1x8xi32>
      tpu.vector_store %arg4[%swap3A_80, %swap3A_81], %broadcast_in_dim3A_79 {strides = array<i32>} : memref<1x8xi32, #tpu.memory_space<vmem>>, vector<1x8xi32>,
    } else {
    }
    %get3A = arith.constant 0 : index
    %get3A_2 = arith.constant 0 : index
    %get3A_3 = vector.load %arg1[%get3A, %get3A_2] : memref<1024x1xi32, #tpu.memory_space<vmem>>, vector<1024x1xi32>
    %iota3A = tpu.iota {dimensions = array<i32: 1>} : vector<1024x8xi32>
    %eq3A_4 = vector.broadcast %get3A_3 : vector<1024x1xi32> to vector<1024x8xi32>
    %eq3A_5 = arith.cmpi eq, %eq3A_4, %iota3A : vector<1024x8xi32>
    %convert_element_type3A_6 = arith.extui %eq3A_5 : vector<1024x8xi1> to vector<1024x8xi32>
    %broadcast_in_dim3A = arith.constant 0 : i32
    %broadcast_in_dim3A_7 = vector.broadcast %broadcast_in_dim3A : i32 to vector<1x8xi32>
    %slice3A = vector.extract_strided_slice %convert_element_type3A_6 {offsets = [0, 0], sizes = [1023, 8], strides = [1, 1]} : vector<1024x8xi32> to vector<1023x8xi32>
    %concatenate3A = tpu.concatenate %broadcast_in_dim3A_7, %slice3A in 0 : vector<1x8xi32>, vector<1023x8xi32> -> vector<1024x8xi32>
    %add3A = arith.addi %convert_element_type3A_6, %concatenate3A : vector<1024x8xi32>
    %broadcast_in_dim3A_8 = arith.constant 0 : i32
    %broadcast_in_dim3A_9 = vector.broadcast %broadcast_in_dim3A_8 : i32 to vector<2x8xi32>
    %slice3A_10 = vector.extract_strided_slice %add3A {offsets = [0, 0], sizes = [1022, 8], strides = [1, 1]} : vector<1024x8xi32> to vector<1022x8xi32>
    %concatenate3A_11 = tpu.concatenate %broadcast_in_dim3A_9, %slice3A_10 in 0 : vector<2x8xi32>, vector<1022x8xi32> -> vector<1024x8xi32>
    %add3A_12 = arith.addi %add3A, %concatenate3A_11 : vector<1024x8xi32>
    %broadcast_in_dim3A_13 = arith.constant 0 : i32
    %broadcast_in_dim3A_14 = vector.broadcast %broadcast_in_dim3A_13 : i32 to vector<4x8xi32>
    %slice3A_15 = vector.extract_strided_slice %add3A_12 {offsets = [0, 0], sizes = [1020, 8], strides = [1, 1]} : vector<1024x8xi32> to vector<1020x8xi32>
    %concatenate3A_16 = tpu.concatenate %broadcast_in_dim3A_14, %slice3A_15 in 0 : vector<4x8xi32>, vector<1020x8xi32> -> vector<1024x8xi32>
    %add3A_17 = arith.addi %add3A_12, %concatenate3A_16 : vector<1024x8xi32>
    %broadcast_in_dim3A_18 = arith.constant 0 : i32
    %broadcast_in_dim3A_19 = vector.broadcast %broadcast_in_dim3A_18 : i32 to vector<8x8xi32>
    %slice3A_20 = vector.extract_strided_slice %add3A_17 {offsets = [0, 0], sizes = [1016, 8], strides = [1, 1]} : vector<1024x8xi32> to vector<1016x8xi32>
    %concatenate3A_21 = tpu.concatenate %broadcast_in_dim3A_19, %slice3A_20 in 0 : vector<8x8xi32>, vector<1016x8xi32> -> vector<1024x8xi32>
    %add3A_22 = arith.addi %add3A_17, %concatenate3A_21 : vector<1024x8xi32>
    %broadcast_in_dim3A_23 = arith.constant 0 : i32
    %broadcast_in_dim3A_24 = vector.broadcast %broadcast_in_dim3A_23 : i32 to vector<16x8xi32>
    %slice3A_25 = vector.extract_strided_slice %add3A_22 {offsets = [0, 0], sizes = [1008, 8], strides = [1, 1]} : vector<1024x8xi32> to vector<1008x8xi32>
    %concatenate3A_26 = tpu.concatenate %broadcast_in_dim3A_24, %slice3A_25 in 0 : vector<16x8xi32>, vector<1008x8xi32> -> vector<1024x8xi32>
    %add3A_27 = arith.addi %add3A_22, %concatenate3A_26 : vector<1024x8xi32>
    %broadcast_in_dim3A_28 = arith.constant 0 : i32
    %broadcast_in_dim3A_29 = vector.broadcast %broadcast_in_dim3A_28 : i32 to vector<32x8xi32>
    %slice3A_30 = vector.extract_strided_slice %add3A_27 {offsets = [0, 0], sizes = [992, 8], strides = [1, 1]} : vector<1024x8xi32> to vector<992x8xi32>
    %concatenate3A_31 = tpu.concatenate %broadcast_in_dim3A_29, %slice3A_30 in 0 : vector<32x8xi32>, vector<992x8xi32> -> vector<1024x8xi32>
    %add3A_32 = arith.addi %add3A_27, %concatenate3A_31 : vector<1024x8xi32>
    %broadcast_in_dim3A_33 = arith.constant 0 : i32
    %broadcast_in_dim3A_34 = vector.broadcast %broadcast_in_dim3A_33 : i32 to vector<64x8xi32>
    %slice3A_35 = vector.extract_strided_slice %add3A_32 {offsets = [0, 0], sizes = [960, 8], strides = [1, 1]} : vector<1024x8xi32> to vector<960x8xi32>
    %concatenate3A_36 = tpu.concatenate %broadcast_in_dim3A_34, %slice3A_35 in 0 : vector<64x8xi32>, vector<960x8xi32> -> vector<1024x8xi32>
    %add3A_37 = arith.addi %add3A_32, %concatenate3A_36 : vector<1024x8xi32>
    %broadcast_in_dim3A_38 = arith.constant 0 : i32
    %broadcast_in_dim3A_39 = vector.broadcast %broadcast_in_dim3A_38 : i32 to vector<128x8xi32>
    %slice3A_40 = vector.extract_strided_slice %add3A_37 {offsets = [0, 0], sizes = [896, 8], strides = [1, 1]} : vector<1024x8xi32> to vector<896x8xi32>
    %concatenate3A_41 = tpu.concatenate %broadcast_in_dim3A_39, %slice3A_40 in 0 : vector<128x8xi32>, vector<896x8xi32> -> vector<1024x8xi32>
    %add3A_42 = arith.addi %add3A_37, %concatenate3A_41 : vector<1024x8xi32>
    %broadcast_in_dim3A_43 = arith.constant 0 : i32
    %broadcast_in_dim3A_44 = vector.broadcast %broadcast_in_dim3A_43 : i32 to vector<256x8xi32>
    %slice3A_45 = vector.extract_strided_slice %add3A_42 {offsets = [0, 0], sizes = [768, 8], strides = [1, 1]} : vector<1024x8xi32> to vector<768x8xi32>
    %concatenate3A_46 = tpu.concatenate %broadcast_in_dim3A_44, %slice3A_45 in 0 : vector<256x8xi32>, vector<768x8xi32> -> vector<1024x8xi32>
    %add3A_47 = arith.addi %add3A_42, %concatenate3A_46 : vector<1024x8xi32>
    %broadcast_in_dim3A_48 = arith.constant 0 : i32
    %broadcast_in_dim3A_49 = vector.broadcast %broadcast_in_dim3A_48 : i32 to vector<512x8xi32>
    %slice3A_50 = vector.extract_strided_slice %add3A_47 {offsets = [0, 0], sizes = [512, 8], strides = [1, 1]} : vector<1024x8xi32> to vector<512x8xi32>
    %concatenate3A_51 = tpu.concatenate %broadcast_in_dim3A_49, %slice3A_50 in 0 : vector<512x8xi32>, vector<512x8xi32> -> vector<1024x8xi32>
    %add3A_52 = arith.addi %add3A_47, %concatenate3A_51 : vector<1024x8xi32>
    %sub3A = arith.subi %add3A_52, %convert_element_type3A_6 : vector<1024x8xi32>
    %get3A_53 = arith.constant 0 : index
    %get3A_54 = arith.constant 0 : index
    %get3A_55 = vector.load %arg4[%get3A_53, %get3A_54] : memref<1x8xi32, #tpu.memory_space<vmem>>, vector<1x8xi32>
    %add3A_56 = vector.broadcast %get3A_55 : vector<1x8xi32> to vector<1024x8xi32>
    %add3A_57 = arith.addi %sub3A, %add3A_56 : vector<1024x8xi32>
    %mul3A = arith.muli %convert_element_type3A_6, %add3A_57 : vector<1024x8xi32>
    %reduce_sum3A = arith.constant dense<0> : vector<1024xi32>
    %reduce_sum3A_58 = vector.multi_reduction <add>, %mul3A, %reduce_sum3A [1] : vector<1024x8xi32> to vector<1024xi32>
    %broadcast_in_dim3A_59 = vector.shape_cast %reduce_sum3A_58 : vector<1024xi32> to vector<1024x1xi32>
    %swap3A = arith.constant 0 : index
    %swap3A_60 = arith.constant 0 : index
    %swap3A_61 = vector.load %arg2[%swap3A, %swap3A_60] : memref<1024x1xi32, #tpu.memory_space<vmem>>, vector<1024x1xi32>
    tpu.vector_store %arg2[%swap3A, %swap3A_60], %broadcast_in_dim3A_59 {strides = array<i32>} : memref<1024x1xi32, #tpu.memory_space<vmem>>, vector<1024x1xi32>,
    %get3A_62 = arith.constant 0 : index
    %get3A_63 = arith.constant 0 : index
    %get3A_64 = vector.load %arg4[%get3A_62, %get3A_63] : memref<1x8xi32, #tpu.memory_space<vmem>>, vector<1x8xi32>
    %reduce_sum3A_65 = arith.constant dense<0> : vector<8xi32>
    %reduce_sum3A_66 = vector.multi_reduction <add>, %convert_element_type3A_6, %reduce_sum3A_65 [0] : vector<1024x8xi32> to vector<8xi32>
    %broadcast_in_dim3A_67 = vector.shape_cast %reduce_sum3A_66 : vector<8xi32> to vector<1x8xi32>
    %add3A_68 = arith.addi %get3A_64, %broadcast_in_dim3A_67 : vector<1x8xi32>
    %swap3A_69 = arith.constant 0 : index
    %swap3A_70 = arith.constant 0 : index
    %swap3A_71 = vector.load %arg4[%swap3A_69, %swap3A_70] : memref<1x8xi32, #tpu.memory_space<vmem>>, vector<1x8xi32>
    tpu.vector_store %arg4[%swap3A_69, %swap3A_70], %add3A_68 {strides = array<i32>} : memref<1x8xi32, #tpu.memory_space<vmem>>, vector<1x8xi32>,
    %get3A_72 = arith.constant 0 : index
    %get3A_73 = arith.constant 0 : index
    %get3A_74 = vector.load %arg4[%get3A_72, %get3A_73] : memref<1x8xi32, #tpu.memory_space<vmem>>, vector<1x8xi32>
    %swap3A_75 = arith.constant 0 : index
    %swap3A_76 = arith.constant 0 : index
    %swap3A_77 = vector.load %arg3[%swap3A_75, %swap3A_76] : memref<1x8xi32, #tpu.memory_space<vmem>>, vector<1x8xi32>
    tpu.vector_store %arg3[%swap3A_75, %swap3A_76], %get3A_74 {strides = array<i32>} : memref<1x8xi32, #tpu.memory_space<vmem>>, vector<1x8xi32>,
    return
  }
  func.func @transform_0(%arg0: i32) -> (i32, i32) {
    %c0_i32 = arith.constant 0 : i32
    %c0_i32_0 = arith.constant 0 : i32
    return %arg0, %c0_i32 : i32, i32
  }
  func.func @transform_1(%arg0: i32) -> (i32, i32) {
    %c0_i32 = arith.constant 0 : i32
    %c0_i32_0 = arith.constant 0 : i32
    return %arg0, %c0_i32 : i32, i32
  }
  func.func @transform_2(%arg0: i32) -> (i32, i32) {
    %c0_i32 = arith.constant 0 : i32
    %c0_i32_0 = arith.constant 0 : i32
    %c0_i32_1 = arith.constant 0 : i32
    return %c0_i32, %c0_i32_0 : i32, i32
  }
}

module attributes {stable_mosaic.version = 14 : i64} {
  func.func @_pos_kernel(%arg0: i32, %arg1: memref<1024x1xi32, #tpu.memory_space<vmem>>, %arg2: memref<1024x1xi32, #tpu.memory_space<vmem>>, %arg3: memref<1x8xi32, #tpu.memory_space<vmem>>, %arg4: memref<1024x1xi32, #tpu.memory_space<vmem>>) attributes {dimension_semantics = [#tpu.dimension_semantics<arbitrary>], iteration_bounds = array<i64: 8>, scalar_prefetch = 0 : i64, scratch_operands = 0 : i64, tpu.core_type = #tpu.core_type<tc>, window_params = [{transform_indices = @transform_0, window_bounds = array<i64: 1024, 1>}, {transform_indices = @transform_1, window_bounds = array<i64: 1024, 1>}, {pipeline_mode = #tpu.pipeline_mode<synchronous>, transform_indices = @transform_2, window_bounds = array<i64: 1, 8>}, {transform_indices = @transform_3, window_bounds = array<i64: 1024, 1>}]} {
    %get3A = arith.constant 0 : index
    %get3A_0 = arith.constant 0 : index
    %get3A_1 = vector.load %arg1[%get3A, %get3A_0] : memref<1024x1xi32, #tpu.memory_space<vmem>>, vector<1024x1xi32>
    %iota3A = tpu.iota {dimensions = array<i32: 1>} : vector<1024x8xi32>
    %eq3A = vector.broadcast %get3A_1 : vector<1024x1xi32> to vector<1024x8xi32>
    %eq3A_2 = arith.cmpi eq, %eq3A, %iota3A : vector<1024x8xi32>
    %convert_element_type3A = arith.extui %eq3A_2 : vector<1024x8xi1> to vector<1024x8xi32>
    %get3A_3 = arith.constant 0 : index
    %get3A_4 = arith.constant 0 : index
    %get3A_5 = vector.load %arg3[%get3A_3, %get3A_4] : memref<1x8xi32, #tpu.memory_space<vmem>>, vector<1x8xi32>
    %mul3A = vector.broadcast %get3A_5 : vector<1x8xi32> to vector<1024x8xi32>
    %mul3A_6 = arith.muli %convert_element_type3A, %mul3A : vector<1024x8xi32>
    %reduce_sum3A = arith.constant dense<0> : vector<1024xi32>
    %reduce_sum3A_7 = vector.multi_reduction <add>, %mul3A_6, %reduce_sum3A [1] : vector<1024x8xi32> to vector<1024xi32>
    %broadcast_in_dim3A = vector.shape_cast %reduce_sum3A_7 : vector<1024xi32> to vector<1024x1xi32>
    %get3A_8 = arith.constant 0 : index
    %get3A_9 = arith.constant 0 : index
    %get3A_10 = vector.load %arg2[%get3A_8, %get3A_9] : memref<1024x1xi32, #tpu.memory_space<vmem>>, vector<1024x1xi32>
    %add3A = arith.addi %broadcast_in_dim3A, %get3A_10 : vector<1024x1xi32>
    %swap3A = arith.constant 0 : index
    %swap3A_11 = arith.constant 0 : index
    %swap3A_12 = vector.load %arg4[%swap3A, %swap3A_11] : memref<1024x1xi32, #tpu.memory_space<vmem>>, vector<1024x1xi32>
    tpu.vector_store %arg4[%swap3A, %swap3A_11], %add3A {strides = array<i32>} : memref<1024x1xi32, #tpu.memory_space<vmem>>, vector<1024x1xi32>,
    return
  }
  func.func @transform_0(%arg0: i32) -> (i32, i32) {
    %c0_i32 = arith.constant 0 : i32
    %c0_i32_0 = arith.constant 0 : i32
    return %arg0, %c0_i32 : i32, i32
  }
  func.func @transform_1(%arg0: i32) -> (i32, i32) {
    %c0_i32 = arith.constant 0 : i32
    %c0_i32_0 = arith.constant 0 : i32
    return %arg0, %c0_i32 : i32, i32
  }
  func.func @transform_2(%arg0: i32) -> (i32, i32) {
    %c0_i32 = arith.constant 0 : i32
    %c0_i32_0 = arith.constant 0 : i32
    %c0_i32_1 = arith.constant 0 : i32
    return %c0_i32, %c0_i32_0 : i32, i32
  }
  func.func @transform_3(%arg0: i32) -> (i32, i32) {
    %c0_i32 = arith.constant 0 : i32
    %c0_i32_0 = arith.constant 0 : i32
    return %arg0, %c0_i32 : i32, i32
  }
}

module attributes {stable_mosaic.version = 14 : i64} {
  func.func @_gmm_kernel(%arg0: i32, %arg1: i32, %arg2: memref<101xi32, #tpu.memory_space<smem>>, %arg3: memref<512x768xf32, #tpu.memory_space<vmem>>, %arg4: memref<1x768x768xf32, #tpu.memory_space<vmem>>, %arg5: memref<1x1x768xf32, #tpu.memory_space<vmem>>, %arg6: memref<1x768x768xf32, #tpu.memory_space<vmem>>, %arg7: memref<1x1x768xf32, #tpu.memory_space<vmem>>, %arg8: memref<512x768xf32, #tpu.memory_space<vmem>>) attributes {dimension_semantics = [#tpu.dimension_semantics<arbitrary>, #tpu.dimension_semantics<arbitrary>], iteration_bounds = array<i64: 23, 4>, scalar_prefetch = 1 : i64, scratch_operands = 0 : i64, tpu.core_type = #tpu.core_type<tc>, window_params = [{transform_indices = @transform_0, window_bounds = array<i64: 512, 768>}, {transform_indices = @transform_1, window_bounds = array<i64: 1, 768, 768>}, {transform_indices = @transform_2, window_bounds = array<i64: 1, 1, 768>}, {transform_indices = @transform_3, window_bounds = array<i64: 1, 768, 768>}, {transform_indices = @transform_4, window_bounds = array<i64: 1, 1, 768>}, {transform_indices = @transform_5, window_bounds = array<i64: 512, 768>}]} {
    %get3A = arith.index_cast %arg0 : i32 to index
    %get3A_0 = memref.load %arg2[%get3A] : memref<101xi32, #tpu.memory_space<smem>>
    %add3A = arith.constant 23 : i32
    %add3A_1 = arith.addi %add3A, %arg0 : i32
    %get3A_2 = arith.index_cast %add3A_1 : i32 to index
    %get3A_3 = memref.load %arg2[%get3A_2] : memref<101xi32, #tpu.memory_space<smem>>
    %add3A_4 = arith.constant 46 : i32
    %add3A_5 = arith.addi %add3A_4, %arg0 : i32
    %get3A_6 = arith.index_cast %add3A_5 : i32 to index
    %get3A_7 = memref.load %arg2[%get3A_6] : memref<101xi32, #tpu.memory_space<smem>>
    %add3A_8 = arith.constant 69 : i32
    %add3A_9 = arith.addi %add3A_8, %arg0 : i32
    %get3A_10 = arith.index_cast %add3A_9 : i32 to index
    %get3A_11 = memref.load %arg2[%get3A_10] : memref<101xi32, #tpu.memory_space<smem>>
    %add3A_12 = arith.constant 92 : i32
    %add3A_13 = arith.addi %add3A_12, %get3A_3 : i32
    %get3A_14 = arith.index_cast %add3A_13 : i32 to index
    %get3A_15 = memref.load %arg2[%get3A_14] : memref<101xi32, #tpu.memory_space<smem>>
    %add3A_16 = arith.constant 92 : i32
    %add3A_17 = arith.addi %add3A_16, %get3A_3 : i32
    %add3A_18 = arith.constant 1 : i32
    %add3A_19 = arith.addi %add3A_17, %add3A_18 : i32
    %get3A_20 = arith.index_cast %add3A_19 : i32 to index
    %get3A_21 = memref.load %arg2[%get3A_20] : memref<101xi32, #tpu.memory_space<smem>>
    %get3A_22 = arith.constant 0 : index
    %get3A_23 = arith.constant 0 : index
    %get3A_24 = vector.load %arg3[%get3A_22, %get3A_23] : memref<512x768xf32, #tpu.memory_space<vmem>>, vector<512x768xf32>
    %get3A_25 = arith.constant 0 : index
    %get3A_26 = arith.constant 0 : index
    %get3A_27 = arith.constant 0 : index
    %get3A_28 = vector.load %arg4[%get3A_25, %get3A_26, %get3A_27] : memref<1x768x768xf32, #tpu.memory_space<vmem>>, vector<1x768x768xf32>
    %get3A_29 = vector.shape_cast %get3A_28 : vector<1x768x768xf32> to vector<768x768xf32>
    %convert_element_type3A = arith.truncf %get3A_24 : vector<512x768xf32> to vector<512x768xbf16>
    %convert_element_type3A_30 = arith.truncf %get3A_29 : vector<768x768xf32> to vector<768x768xbf16>
    %dot_general3A = arith.constant dense<0.000000e+00> : vector<512x768xf32>
    %dot_general3A_31 = tpu.matmul %convert_element_type3A, %convert_element_type3A_30, %dot_general3A {dimension_numbers = #tpu.dot_dimension_numbers<[1], [1], [0], [0], [0, 0, 1, 0], [], []>, transpose_lhs_hint = false} : vector<512x768xbf16>, vector<768x768xbf16>, vector<512x768xf32> -> vector<512x768xf32>
    %get3A_32 = arith.constant 0 : index
    %get3A_33 = arith.constant 0 : index
    %get3A_34 = arith.constant 0 : index
    %get3A_35 = vector.load %arg5[%get3A_32, %get3A_33, %get3A_34] : memref<1x1x768xf32, #tpu.memory_space<vmem>>, vector<1x1x768xf32>
    %get3A_36 = vector.shape_cast %get3A_35 : vector<1x1x768xf32> to vector<1x768xf32>
    %add3A_37 = vector.broadcast %get3A_36 : vector<1x768xf32> to vector<512x768xf32>
    %add3A_38 = arith.addf %dot_general3A_31, %add3A_37 : vector<512x768xf32>
    %max3A = arith.constant 0.000000e+00 : f32
    %max3A_39 = vector.broadcast %max3A : f32 to vector<512x768xf32>
    %max3A_40 = arith.maximumf %add3A_38, %max3A_39 : vector<512x768xf32>
    %get3A_41 = arith.constant 0 : index
    %get3A_42 = arith.constant 0 : index
    %get3A_43 = arith.constant 0 : index
    %get3A_44 = vector.load %arg6[%get3A_41, %get3A_42, %get3A_43] : memref<1x768x768xf32, #tpu.memory_space<vmem>>, vector<1x768x768xf32>
    %get3A_45 = vector.shape_cast %get3A_44 : vector<1x768x768xf32> to vector<768x768xf32>
    %convert_element_type3A_46 = arith.truncf %max3A_40 : vector<512x768xf32> to vector<512x768xbf16>
    %convert_element_type3A_47 = arith.truncf %get3A_45 : vector<768x768xf32> to vector<768x768xbf16>
    %dot_general3A_48 = arith.constant dense<0.000000e+00> : vector<512x768xf32>
    %dot_general3A_49 = tpu.matmul %convert_element_type3A_46, %convert_element_type3A_47, %dot_general3A_48 {dimension_numbers = #tpu.dot_dimension_numbers<[1], [1], [0], [0], [0, 0, 1, 0], [], []>, transpose_lhs_hint = false} : vector<512x768xbf16>, vector<768x768xbf16>, vector<512x768xf32> -> vector<512x768xf32>
    %eq3A = arith.constant 0 : i32
    %eq3A_50 = arith.cmpi eq, %arg1, %eq3A : i32
    %get3A_51 = arith.constant 0 : index
    %get3A_52 = arith.constant 0 : index
    %get3A_53 = arith.constant 0 : index
    %get3A_54 = vector.load %arg7[%get3A_51, %get3A_52, %get3A_53] : memref<1x1x768xf32, #tpu.memory_space<vmem>>, vector<1x1x768xf32>
    %get3A_55 = vector.shape_cast %get3A_54 : vector<1x1x768xf32> to vector<1x768xf32>
    %add3A_56 = vector.broadcast %get3A_55 : vector<1x768xf32> to vector<512x768xf32>
    %add3A_57 = arith.addf %dot_general3A_49, %add3A_56 : vector<512x768xf32>
    %select_n3A = arith.select %eq3A_50, %add3A_57, %dot_general3A_49 : vector<512x768xf32>
    %iota3A = tpu.iota {dimensions = array<i32: 0>} : vector<512x1xi32>
    %mul3A = arith.constant 512 : i32
    %mul3A_58 = arith.muli %get3A_0, %mul3A : i32
    %add3A_59 = vector.broadcast %mul3A_58 : i32 to vector<512x1xi32>
    %add3A_60 = arith.addi %iota3A, %add3A_59 : vector<512x1xi32>
    %ge3A = vector.broadcast %get3A_15 : i32 to vector<512x1xi32>
    %ge3A_61 = arith.cmpi sge, %add3A_60, %ge3A : vector<512x1xi32>
    %lt3A = vector.broadcast %get3A_21 : i32 to vector<512x1xi32>
    %lt3A_62 = arith.cmpi slt, %add3A_60, %lt3A : vector<512x1xi32>
    %and3A = arith.andi %ge3A_61, %lt3A_62 : vector<512x1xi1>
    %gt3A = arith.constant 0 : i32
    %gt3A_63 = arith.cmpi sgt, %get3A_11, %gt3A : i32
    %and3A_64 = vector.broadcast %gt3A_63 : i1 to vector<512x1xi1>
    %and3A_65 = arith.andi %and3A, %and3A_64 : vector<512x1xi1>
    %jit3A = arith.constant 0.000000e+00 : f32
    %broadcast_in_dim3A = vector.shape_cast %and3A_65 : vector<512x1xi1> to vector<512x1xi1>
    %broadcast_in_dim3A_66 = vector.broadcast %broadcast_in_dim3A : vector<512x1xi1> to vector<512x768xi1>
    %broadcast_in_dim3A_67 = vector.broadcast %jit3A : f32 to vector<512x768xf32>
    %select_n3A_68 = arith.select %broadcast_in_dim3A_66, %select_n3A, %broadcast_in_dim3A_67 : vector<512x768xi1>, vector<512x768xf32>
    %gt3A_69 = arith.constant 0 : i32
    %gt3A_70 = arith.cmpi sgt, %get3A_7, %gt3A_69 : i32
    %eq3A_71 = arith.constant 0 : i32
    %eq3A_72 = arith.cmpi eq, %arg1, %eq3A_71 : i32
    %and3A_73 = arith.andi %gt3A_70, %eq3A_72 : i1
    %convert_element_type3A_74 = arith.extui %and3A_73 : i1 to i32
    %cond3A = arith.constant 0 : i32
    %cond3A_75 = arith.cmpi ne, %convert_element_type3A_74, %cond3A : i32
    scf.if %cond3A_75 {
      %swap3A = arith.constant 0 : index
      %swap3A_83 = arith.constant 0 : index
      %swap3A_84 = vector.load %arg8[%swap3A, %swap3A_83] : memref<512x768xf32, #tpu.memory_space<vmem>>, vector<512x768xf32>
      tpu.vector_store %arg8[%swap3A, %swap3A_83], %select_n3A_68 {strides = array<i32>} : memref<512x768xf32, #tpu.memory_space<vmem>>, vector<512x768xf32>,
    } else {
    }
    %eq3A_76 = arith.constant 0 : i32
    %eq3A_77 = arith.cmpi eq, %get3A_7, %eq3A_76 : i32
    %gt3A_78 = arith.constant 0 : i32
    %gt3A_79 = arith.cmpi sgt, %arg1, %gt3A_78 : i32
    %or3A = arith.ori %eq3A_77, %gt3A_79 : i1
    %convert_element_type3A_80 = arith.extui %or3A : i1 to i32
    %cond3A_81 = arith.constant 0 : i32
    %cond3A_82 = arith.cmpi ne, %convert_element_type3A_80, %cond3A_81 : i32
    scf.if %cond3A_82 {
      %get3A_83 = arith.constant 0 : index
      %get3A_84 = arith.constant 0 : index
      %get3A_85 = vector.load %arg8[%get3A_83, %get3A_84] : memref<512x768xf32, #tpu.memory_space<vmem>>, vector<512x768xf32>
      %add3A_86 = arith.addf %get3A_85, %select_n3A_68 : vector<512x768xf32>
      %swap3A = arith.constant 0 : index
      %swap3A_87 = arith.constant 0 : index
      %swap3A_88 = vector.load %arg8[%swap3A, %swap3A_87] : memref<512x768xf32, #tpu.memory_space<vmem>>, vector<512x768xf32>
      tpu.vector_store %arg8[%swap3A, %swap3A_87], %add3A_86 {strides = array<i32>} : memref<512x768xf32, #tpu.memory_space<vmem>>, vector<512x768xf32>,
    } else {
    }
    return
  }
  func.func @transform_0(%arg0: i32, %arg1: i32, %arg2: memref<101xi32, #tpu.memory_space<smem>>) -> (i32, i32) {
    %get3A = arith.index_cast %arg0 : i32 to index
    %get3A_0 = memref.load %arg2[%get3A] : memref<101xi32, #tpu.memory_space<smem>>
    %c0_i32 = arith.constant 0 : i32
    %c0_i32_1 = arith.constant 0 : i32
    return %get3A_0, %c0_i32 : i32, i32
  }
  func.func @transform_1(%arg0: i32, %arg1: i32, %arg2: memref<101xi32, #tpu.memory_space<smem>>) -> (i32, i32, i32) {
    %add3A = arith.constant 23 : i32
    %add3A_0 = arith.addi %add3A, %arg0 : i32
    %get3A = arith.index_cast %add3A_0 : i32 to index
    %get3A_1 = memref.load %arg2[%get3A] : memref<101xi32, #tpu.memory_space<smem>>
    %c0_i32 = arith.constant 0 : i32
    %c0_i32_2 = arith.constant 0 : i32
    return %get3A_1, %arg1, %c0_i32 : i32, i32, i32
  }
  func.func @transform_2(%arg0: i32, %arg1: i32, %arg2: memref<101xi32, #tpu.memory_space<smem>>) -> (i32, i32, i32) {
    %add3A = arith.constant 23 : i32
    %add3A_0 = arith.addi %add3A, %arg0 : i32
    %get3A = arith.index_cast %add3A_0 : i32 to index
    %get3A_1 = memref.load %arg2[%get3A] : memref<101xi32, #tpu.memory_space<smem>>
    %c0_i32 = arith.constant 0 : i32
    %c0_i32_2 = arith.constant 0 : i32
    return %get3A_1, %c0_i32, %arg1 : i32, i32, i32
  }
  func.func @transform_3(%arg0: i32, %arg1: i32, %arg2: memref<101xi32, #tpu.memory_space<smem>>) -> (i32, i32, i32) {
    %add3A = arith.constant 23 : i32
    %add3A_0 = arith.addi %add3A, %arg0 : i32
    %get3A = arith.index_cast %add3A_0 : i32 to index
    %get3A_1 = memref.load %arg2[%get3A] : memref<101xi32, #tpu.memory_space<smem>>
    %c0_i32 = arith.constant 0 : i32
    %c0_i32_2 = arith.constant 0 : i32
    return %get3A_1, %c0_i32, %arg1 : i32, i32, i32
  }
  func.func @transform_4(%arg0: i32, %arg1: i32, %arg2: memref<101xi32, #tpu.memory_space<smem>>) -> (i32, i32, i32) {
    %add3A = arith.constant 23 : i32
    %add3A_0 = arith.addi %add3A, %arg0 : i32
    %get3A = arith.index_cast %add3A_0 : i32 to index
    %get3A_1 = memref.load %arg2[%get3A] : memref<101xi32, #tpu.memory_space<smem>>
    %c0_i32 = arith.constant 0 : i32
    %c0_i32_2 = arith.constant 0 : i32
    %c0_i32_3 = arith.constant 0 : i32
    return %get3A_1, %c0_i32, %c0_i32_2 : i32, i32, i32
  }
  func.func @transform_5(%arg0: i32, %arg1: i32, %arg2: memref<101xi32, #tpu.memory_space<smem>>) -> (i32, i32) {
    %get3A = arith.index_cast %arg0 : i32 to index
    %get3A_0 = memref.load %arg2[%get3A] : memref<101xi32, #tpu.memory_space<smem>>
    %c0_i32 = arith.constant 0 : i32
    %c0_i32_1 = arith.constant 0 : i32
    return %get3A_0, %c0_i32 : i32, i32
  }
}

module attributes {stable_mosaic.version = 14 : i64} {
  func.func @_comb_kernel(%arg0: i32, %arg1: memref<1024x768xf32, #tpu.memory_space<vmem>>, %arg2: memref<1024x768xf32, #tpu.memory_space<vmem>>, %arg3: memref<1024x768xf32, #tpu.memory_space<vmem>>, %arg4: memref<1024x1xf32, #tpu.memory_space<vmem>>, %arg5: memref<1024x1xf32, #tpu.memory_space<vmem>>, %arg6: memref<1x768xf32, #tpu.memory_space<vmem>>, %arg7: memref<1x768xf32, #tpu.memory_space<vmem>>, %arg8: memref<1x768xf32, #tpu.memory_space<vmem>>, %arg9: memref<1x768xf32, #tpu.memory_space<vmem>>, %arg10: memref<1024x768xf32, #tpu.memory_space<vmem>>) attributes {dimension_semantics = [#tpu.dimension_semantics<arbitrary>], iteration_bounds = array<i64: 4>, scalar_prefetch = 0 : i64, scratch_operands = 0 : i64, tpu.core_type = #tpu.core_type<tc>, window_params = [{transform_indices = @transform_0, window_bounds = array<i64: 1024, 768>}, {transform_indices = @transform_1, window_bounds = array<i64: 1024, 768>}, {transform_indices = @transform_2, window_bounds = array<i64: 1024, 768>}, {transform_indices = @transform_3, window_bounds = array<i64: 1024, 1>}, {transform_indices = @transform_4, window_bounds = array<i64: 1024, 1>}, {pipeline_mode = #tpu.pipeline_mode<synchronous>, transform_indices = @transform_5, window_bounds = array<i64: 1, 768>}, {pipeline_mode = #tpu.pipeline_mode<synchronous>, transform_indices = @transform_6, window_bounds = array<i64: 1, 768>}, {pipeline_mode = #tpu.pipeline_mode<synchronous>, transform_indices = @transform_7, window_bounds = array<i64: 1, 768>}, {pipeline_mode = #tpu.pipeline_mode<synchronous>, transform_indices = @transform_8, window_bounds = array<i64: 1, 768>}, {transform_indices = @transform_9, window_bounds = array<i64: 1024, 768>}]} {
    %get3A = arith.constant 0 : index
    %get3A_0 = arith.constant 0 : index
    %get3A_1 = vector.load %arg4[%get3A, %get3A_0] : memref<1024x1xf32, #tpu.memory_space<vmem>>, vector<1024x1xf32>
    %get3A_2 = arith.constant 0 : index
    %get3A_3 = arith.constant 0 : index
    %get3A_4 = vector.load %arg2[%get3A_2, %get3A_3] : memref<1024x768xf32, #tpu.memory_space<vmem>>, vector<1024x768xf32>
    %mul3A = vector.broadcast %get3A_1 : vector<1024x1xf32> to vector<1024x768xf32>
    %mul3A_5 = arith.mulf %mul3A, %get3A_4 : vector<1024x768xf32>
    %get3A_6 = arith.constant 0 : index
    %get3A_7 = arith.constant 0 : index
    %get3A_8 = vector.load %arg5[%get3A_6, %get3A_7] : memref<1024x1xf32, #tpu.memory_space<vmem>>, vector<1024x1xf32>
    %get3A_9 = arith.constant 0 : index
    %get3A_10 = arith.constant 0 : index
    %get3A_11 = vector.load %arg3[%get3A_9, %get3A_10] : memref<1024x768xf32, #tpu.memory_space<vmem>>, vector<1024x768xf32>
    %mul3A_12 = vector.broadcast %get3A_8 : vector<1024x1xf32> to vector<1024x768xf32>
    %mul3A_13 = arith.mulf %mul3A_12, %get3A_11 : vector<1024x768xf32>
    %add3A = arith.addf %mul3A_5, %mul3A_13 : vector<1024x768xf32>
    %get3A_14 = arith.constant 0 : index
    %get3A_15 = arith.constant 0 : index
    %get3A_16 = vector.load %arg1[%get3A_14, %get3A_15] : memref<1024x768xf32, #tpu.memory_space<vmem>>, vector<1024x768xf32>
    %add3A_17 = arith.addf %get3A_16, %add3A : vector<1024x768xf32>
    %get3A_18 = arith.constant 0 : index
    %get3A_19 = arith.constant 0 : index
    %get3A_20 = vector.load %arg6[%get3A_18, %get3A_19] : memref<1x768xf32, #tpu.memory_space<vmem>>, vector<1x768xf32>
    %get3A_21 = arith.constant 0 : index
    %get3A_22 = arith.constant 0 : index
    %get3A_23 = vector.load %arg7[%get3A_21, %get3A_22] : memref<1x768xf32, #tpu.memory_space<vmem>>, vector<1x768xf32>
    %reduce_sum3A = arith.constant dense<0.000000e+00> : vector<1024xf32>
    %reduce_sum3A_24 = vector.multi_reduction <add>, %add3A_17, %reduce_sum3A [1] : vector<1024x768xf32> to vector<1024xf32>
    %broadcast_in_dim3A = vector.shape_cast %reduce_sum3A_24 : vector<1024xf32> to vector<1024x1xf32>
    %div3A = arith.constant 7.680000e+02 : f32
    %div3A_25 = vector.broadcast %div3A : f32 to vector<1024x1xf32>
    %div3A_26 = arith.divf %broadcast_in_dim3A, %div3A_25 : vector<1024x1xf32>
    %sub3A = vector.broadcast %div3A_26 : vector<1024x1xf32> to vector<1024x768xf32>
    %sub3A_27 = arith.subf %add3A_17, %sub3A : vector<1024x768xf32>
    %mul3A_28 = arith.mulf %sub3A_27, %sub3A_27 : vector<1024x768xf32>
    %reduce_sum3A_29 = arith.constant dense<0.000000e+00> : vector<1024xf32>
    %reduce_sum3A_30 = vector.multi_reduction <add>, %mul3A_28, %reduce_sum3A_29 [1] : vector<1024x768xf32> to vector<1024xf32>
    %broadcast_in_dim3A_31 = vector.shape_cast %reduce_sum3A_30 : vector<1024xf32> to vector<1024x1xf32>
    %div3A_32 = arith.constant 7.680000e+02 : f32
    %div3A_33 = vector.broadcast %div3A_32 : f32 to vector<1024x1xf32>
    %div3A_34 = arith.divf %broadcast_in_dim3A_31, %div3A_33 : vector<1024x1xf32>
    %add3A_35 = arith.constant 9.99999974E-6 : f32
    %add3A_36 = vector.broadcast %add3A_35 : f32 to vector<1024x1xf32>
    %add3A_37 = arith.addf %div3A_34, %add3A_36 : vector<1024x1xf32>
    %rsqrt3A = math.rsqrt %add3A_37 : vector<1024x1xf32>
    %mul3A_38 = vector.broadcast %rsqrt3A : vector<1024x1xf32> to vector<1024x768xf32>
    %mul3A_39 = arith.mulf %sub3A_27, %mul3A_38 : vector<1024x768xf32>
    %mul3A_40 = vector.broadcast %get3A_20 : vector<1x768xf32> to vector<1024x768xf32>
    %mul3A_41 = arith.mulf %mul3A_39, %mul3A_40 : vector<1024x768xf32>
    %add3A_42 = vector.broadcast %get3A_23 : vector<1x768xf32> to vector<1024x768xf32>
    %add3A_43 = arith.addf %mul3A_41, %add3A_42 : vector<1024x768xf32>
    %add3A_44 = arith.addf %get3A_16, %add3A_43 : vector<1024x768xf32>
    %get3A_45 = arith.constant 0 : index
    %get3A_46 = arith.constant 0 : index
    %get3A_47 = vector.load %arg8[%get3A_45, %get3A_46] : memref<1x768xf32, #tpu.memory_space<vmem>>, vector<1x768xf32>
    %get3A_48 = arith.constant 0 : index
    %get3A_49 = arith.constant 0 : index
    %get3A_50 = vector.load %arg9[%get3A_48, %get3A_49] : memref<1x768xf32, #tpu.memory_space<vmem>>, vector<1x768xf32>
    %reduce_sum3A_51 = arith.constant dense<0.000000e+00> : vector<1024xf32>
    %reduce_sum3A_52 = vector.multi_reduction <add>, %add3A_44, %reduce_sum3A_51 [1] : vector<1024x768xf32> to vector<1024xf32>
    %broadcast_in_dim3A_53 = vector.shape_cast %reduce_sum3A_52 : vector<1024xf32> to vector<1024x1xf32>
    %div3A_54 = arith.constant 7.680000e+02 : f32
    %div3A_55 = vector.broadcast %div3A_54 : f32 to vector<1024x1xf32>
    %div3A_56 = arith.divf %broadcast_in_dim3A_53, %div3A_55 : vector<1024x1xf32>
    %sub3A_57 = vector.broadcast %div3A_56 : vector<1024x1xf32> to vector<1024x768xf32>
    %sub3A_58 = arith.subf %add3A_44, %sub3A_57 : vector<1024x768xf32>
    %mul3A_59 = arith.mulf %sub3A_58, %sub3A_58 : vector<1024x768xf32>
    %reduce_sum3A_60 = arith.constant dense<0.000000e+00> : vector<1024xf32>
    %reduce_sum3A_61 = vector.multi_reduction <add>, %mul3A_59, %reduce_sum3A_60 [1] : vector<1024x768xf32> to vector<1024xf32>
    %broadcast_in_dim3A_62 = vector.shape_cast %reduce_sum3A_61 : vector<1024xf32> to vector<1024x1xf32>
    %div3A_63 = arith.constant 7.680000e+02 : f32
    %div3A_64 = vector.broadcast %div3A_63 : f32 to vector<1024x1xf32>
    %div3A_65 = arith.divf %broadcast_in_dim3A_62, %div3A_64 : vector<1024x1xf32>
    %add3A_66 = arith.constant 9.99999974E-6 : f32
    %add3A_67 = vector.broadcast %add3A_66 : f32 to vector<1024x1xf32>
    %add3A_68 = arith.addf %div3A_65, %add3A_67 : vector<1024x1xf32>
    %rsqrt3A_69 = math.rsqrt %add3A_68 : vector<1024x1xf32>
    %mul3A_70 = vector.broadcast %rsqrt3A_69 : vector<1024x1xf32> to vector<1024x768xf32>
    %mul3A_71 = arith.mulf %sub3A_58, %mul3A_70 : vector<1024x768xf32>
    %mul3A_72 = vector.broadcast %get3A_47 : vector<1x768xf32> to vector<1024x768xf32>
    %mul3A_73 = arith.mulf %mul3A_71, %mul3A_72 : vector<1024x768xf32>
    %add3A_74 = vector.broadcast %get3A_50 : vector<1x768xf32> to vector<1024x768xf32>
    %add3A_75 = arith.addf %mul3A_73, %add3A_74 : vector<1024x768xf32>
    %swap3A = arith.constant 0 : index
    %swap3A_76 = arith.constant 0 : index
    %swap3A_77 = vector.load %arg10[%swap3A, %swap3A_76] : memref<1024x768xf32, #tpu.memory_space<vmem>>, vector<1024x768xf32>
    tpu.vector_store %arg10[%swap3A, %swap3A_76], %add3A_75 {strides = array<i32>} : memref<1024x768xf32, #tpu.memory_space<vmem>>, vector<1024x768xf32>,
    return
  }
  func.func @transform_0(%arg0: i32) -> (i32, i32) {
    %c0_i32 = arith.constant 0 : i32
    %c0_i32_0 = arith.constant 0 : i32
    return %arg0, %c0_i32 : i32, i32
  }
  func.func @transform_1(%arg0: i32) -> (i32, i32) {
    %c0_i32 = arith.constant 0 : i32
    %c0_i32_0 = arith.constant 0 : i32
    return %arg0, %c0_i32 : i32, i32
  }
  func.func @transform_2(%arg0: i32) -> (i32, i32) {
    %c0_i32 = arith.constant 0 : i32
    %c0_i32_0 = arith.constant 0 : i32
    return %arg0, %c0_i32 : i32, i32
  }
  func.func @transform_3(%arg0: i32) -> (i32, i32) {
    %c0_i32 = arith.constant 0 : i32
    %c0_i32_0 = arith.constant 0 : i32
    return %arg0, %c0_i32 : i32, i32
  }
  func.func @transform_4(%arg0: i32) -> (i32, i32) {
    %c0_i32 = arith.constant 0 : i32
    %c0_i32_0 = arith.constant 0 : i32
    return %arg0, %c0_i32 : i32, i32
  }
  func.func @transform_5(%arg0: i32) -> (i32, i32) {
    %c0_i32 = arith.constant 0 : i32
    %c0_i32_0 = arith.constant 0 : i32
    %c0_i32_1 = arith.constant 0 : i32
    return %c0_i32, %c0_i32_0 : i32, i32
  }
  func.func @transform_6(%arg0: i32) -> (i32, i32) {
    %c0_i32 = arith.constant 0 : i32
    %c0_i32_0 = arith.constant 0 : i32
    %c0_i32_1 = arith.constant 0 : i32
    return %c0_i32, %c0_i32_0 : i32, i32
  }
  func.func @transform_7(%arg0: i32) -> (i32, i32) {
    %c0_i32 = arith.constant 0 : i32
    %c0_i32_0 = arith.constant 0 : i32
    %c0_i32_1 = arith.constant 0 : i32
    return %c0_i32, %c0_i32_0 : i32, i32
  }
  func.func @transform_8(%arg0: i32) -> (i32, i32) {
    %c0_i32 = arith.constant 0 : i32
    %c0_i32_0 = arith.constant 0 : i32
    %c0_i32_1 = arith.constant 0 : i32
    return %c0_i32, %c0_i32_0 : i32, i32
  }
  func.func @transform_9(%arg0: i32) -> (i32, i32) {
    %c0_i32 = arith.constant 0 : i32
    %c0_i32_0 = arith.constant 0 : i32
    return %arg0, %c0_i32 : i32, i32
  }
}

</mosaic_0001>

<sc_bundles>
// kernel: kernel.13.cloned.1.call-start
scs
__scs_entry_jumppad:
0x0: {  	(pc) =	sbr.rel $0x88, $3  }
0x1: {  	(tag) =	ssettag $0x0;
	lr =	simm.s32 $0x1  }
0x2: {  	[smem:$0x3F8E] =	sst lr;
	_ =	strace $0xD0000000  }
0x3: {  	_ = 	snop  }
0x4: {  	_ = 	snop  }
0x5: {  	_ = 	snop  }
0x6: {  	_ = 	snop  }
0x7: {  	_ = 	snop  }
__scs_overlays_trampoline_lowered:
0x8: {  	[smem:$0x3F9D] =	sst s0  }
0x9: {  	[smem:$0x3F9E] =	sst s1  }
0xa: {  	[smem:$0x3F9F] =	sst s2  }
0xb: {  	[smem:$0x3FA0] =	sst s3  }
0xc: {  	[smem:$0x3FA1] =	sst s4  }
0xd: {  	[smem:$0x3FA2] =	sst s5  }
0xe: {  	[smem:$0x3FA3] =	sst s6  }
0xf: {  	[smem:$0x3FA4] =	sst s7  }
0x10: {  	[smem:$0x3FA5] =	sst s8  }
0x11: {  	[smem:$0x3FA6] =	sst s9;
	s0 =	simm.s32 @!p0 $0x0  }
0x12: {  	s1 =	sld [smem:$0x3F8C];
	s0 =	simm.s32 @p0 $0x1  }
0x13: {  	[smem:$0x3FA7] =	sst s0;
	s0 =	simm.s32 @!p1 $0x0  }
0x14: {  	s2 =	sld [smem:$0x3F8B];
	s0 =	simm.s32 @p1 $0x1  }
0x15: {  	[smem:$0x3FA8] =	sst s0;
	s0 =	simm.s32 @!p2 $0x0  }
0x16: {  	s3 =	sld [smem:$0x3FDB];
	s0 =	simm.s32 @p2 $0x1  }
0x17: {  	s4 =	simm.s32 $0x1BF5;
	[smem:$0x3FAA] =	sst s0  }
0x18: {  	s0 =	sld [smem:$0x3F8D];
	_ =	swait.ge [sflag:s4], $0x0  }
0x19: {  	s7 =	sld [smem:$0x3F8E]  }
0x1a: {  	s8 =	sadd.s32 $0xFFFFE003, lr  }
0x1b: {  	s9 =	sadd.s32 $0xFFFFFEF7, lr;
	s5 =	simm.s32 $0xFFFFFFFF;
	p2 =	slt.u32 s8, $0xFFFFF086  }
0x1c: {  	p1 =	slt.u32 s9, $0xF7A;
	s5 =	simm.s32 @!p2 $0x0  }
0x1d: {  	s5 =	simm.s32 @p1 $0x1;
	p0 =	seq.s32 s7, s2  }
0x1e: {  	s7 =	smul.u32 @!p0 $0xF7A, s2;
	p2 =	seq.s32 @!p0 s5, $0x0  }
0x1f: {  	s9 =	smul.u32 $0xF7A, s1;
	s8 =	simm.s32 @!p0 $0x1BF5;
	p2 =	por !p2, p0  }
0x20: {  	[sflag:s8] =	ssyncset.s32 @!p0 $0xFFFFF086;
	s6 =	sadd.s32 @!p0 s3, s7;
	s7 =	simm.s32 @!p0 $0x108  }
0x21: {  	s3 =	sadd.s32 s3, s9;
	s6 =	sadd.s32 @!p0 $0x88, s6;
	s7 =	simm.s32 @p2 $0x1082  }
0x22: {  	[simem:s7], [sflag:s8] =	dma.local @!p0 [hbm:s6], $0xF7A  }
0x23: {  	s9 =	sor.u32 $0xD0000000, s2;
	s6 =	simm.s32 $0x108;
	_ =	swait.ge @!p0 [sflag:s8], $0x0  }
0x24: {  	s3 =	sadd.s32 $0x88, s3;
	s6 =	simm.s32 @!p1 $0x1082;
	[sflag:s4] =	ssyncset.s32 $0xFFFFF086  }
0x25: {  	[simem:s6], [sflag:s4] =	dma.local [hbm:s3], $0xF7A  }
0x26: {  	[smem:$0x3F8E] =	sst s1;
	(tag) =	ssettag s2;
	_ =	strace s9  }
0x27: {  	s1 =	sld [smem:$0x3F9E]  }
0x28: {  	s2 =	sld [smem:$0x3F9F]  }
0x29: {  	s4 =	sld [smem:$0x3FA1]  }
0x2a: {  	p0 =	seq.s32 s5, $0x0;
	s5 =	sld [smem:$0x3FA2]  }
0x2b: {  	s6 =	sld [smem:$0x3FA3]  }
0x2c: {  	s7 =	sld [smem:$0x3FA4]  }
0x2d: {  	s3 =	simm.s32 $0x108;
	s8 =	sld [smem:$0x3FA5]  }
0x2e: {  	s3 =	simm.s32 @!p0 $0x1082;
	s9 =	sld [smem:$0x3FA6]  }
0x2f: {  	lr =	sadd.s32 s0, s3;
	s0 =	sld [smem:$0x3F9D]  }
0x30: {  	s3 =	sld [smem:$0x3FA0]  }
0x31: {  	[smem:$0x3FA9] =	sst s10  }
0x32: {  	s10 =	sld [smem:$0x3FA7];
	_ =	sdelay $0x3  }
0x33: {  	p0 =	seq.s32 s10, $0x1;
	s10 =	sld [smem:$0x3FA9];
	_ =	sdelay $0x3  }
0x34: {  	[smem:$0x3FA9] =	sst s10  }
0x35: {  	s10 =	sld [smem:$0x3FA8];
	_ =	sdelay $0x3  }
0x36: {  	p1 =	seq.s32 s10, $0x1;
	s10 =	sld [smem:$0x3FA9];
	_ =	sdelay $0x3  }
0x37: {  	[smem:$0x3FA9] =	sst s10  }
0x38: {  	s10 =	sld [smem:$0x3FAA]  }
0x39: {  	_ = 	snop;
	(pc) =	sbr.ind lr, $3  }
0x3a: {  	_ = 	snop  }
0x3b: {  	_ = 	snop  }
0x3c: {  	p2 =	seq.s32 s10, $0x1;
	s10 =	sld [smem:$0x3FA9]  }
0x3d: {  	_ =	shalt  }
0x3e: {  	_ =	shalt  }
0x3f: {  	_ =	shalt  }
0x40: {  	_ =	shalt  }
0x41: {  	_ =	shalt  }
0x42: {  	_ =	shalt  }
0x43: {  	_ =	shalt  }
0x44: {  	_ =	shalt  }
0x45: {  	_ =	shalt  }
0x46: {  	_ =	shalt  }
0x47: {  	_ =	shalt  }
0x48: {  	_ =	shalt  }
0x49: {  	_ =	shalt  }
0x4a: {  	_ =	shalt  }
0x4b: {  	_ =	shalt  }
0x4c: {  	_ =	shalt  }
0x4d: {  	_ =	shalt  }
0x4e: {  	_ =	shalt  }
0x4f: {  	_ =	shalt  }
0x50: {  	_ =	shalt  }
0x51: {  	_ =	shalt  }
0x52: {  	_ =	shalt  }
0x53: {  	_ =	shalt  }
0x54: {  	_ =	shalt  }
0x55: {  	_ =	shalt  }
0x56: {  	_ =	shalt  }
0x57: {  	_ =	shalt  }
0x58: {  	_ =	shalt  }
0x59: {  	_ =	shalt  }
0x5a: {  	_ =	shalt  }
0x5b: {  	_ =	shalt  }
0x5c: {  	_ =	shalt  }
0x5d: {  	_ =	shalt  }
0x5e: {  	_ =	shalt  }
0x5f: {  	_ =	shalt  }
0x60: {  	_ =	shalt  }
0x61: {  	_ =	shalt  }
0x62: {  	_ =	shalt  }
0x63: {  	_ =	shalt  }
0x64: {  	_ =	shalt  }
0x65: {  	_ =	shalt  }
0x66: {  	_ =	shalt  }
0x67: {  	_ =	shalt  }
0x68: {  	_ =	shalt  }
0x69: {  	_ =	shalt  }
0x6a: {  	_ =	shalt  }
0x6b: {  	_ =	shalt  }
0x6c: {  	_ =	shalt  }
0x6d: {  	_ =	shalt  }
0x6e: {  	_ =	shalt  }
0x6f: {  	_ =	shalt  }
0x70: {  	_ =	shalt  }
0x71: {  	_ =	shalt  }
0x72: {  	_ =	shalt  }
0x73: {  	_ =	shalt  }
0x74: {  	_ =	shalt  }
0x75: {  	_ =	shalt  }
0x76: {  	_ =	shalt  }
0x77: {  	_ =	shalt  }
0x78: {  	_ =	shalt  }
0x79: {  	_ =	shalt  }
0x7a: {  	_ =	shalt  }
0x7b: {  	_ =	shalt  }
0x7c: {  	_ =	shalt  }
0x7d: {  	_ =	shalt  }
0x7e: {  	_ =	shalt  }
0x7f: {  	_ =	shalt  }
0x80: {  	_ =	shalt  }
0x81: {  	_ =	shalt  }
0x82: {  	_ =	shalt  }
0x83: {  	_ =	shalt  }
0x84: {  	_ =	shalt  }
0x85: {  	_ =	shalt  }
0x86: {  	_ =	shalt  }
0x87: {  	_ =	shalt  }
.Lfunc_end0:
.L_simem_size_0:
called_computation_lowered:
.L_overlay_start_0:
0x88: {  	s2 =	sld [smem:$0x3FD9]  }
0x89: {  	s3 =	sld [smem:$0x3FFE];
	_ =	sdelay $0x1  }
0x8a: {  	s1 =	srdreg.scid  }
0x8b: {  	s0 =	sand.u32 $0x1, s1  }
0x8c: {  	s17 =	sshll.u32 s0, $0xA;
	s2 =	sadd.s32 s3, s2  }
0x8d: {  	s2 =	sadd.s32 s2, s17  }
0x8e: {  	[smem:$0x3FB5] =	sst s2  }
0x8f: {  	_ = 	snop  }
0x90: {  	s2 =	sld [smem:$0x3FD0];
	(tm) =	ssettm $0x1  }
0x91: {  	s18 =	sld [smem:$0x3FFB];
	_ =	sdelay $0x3  }
0x92: {  	_ =	strace s18  }
0x93: {  	s3 =	sld [smem:$0x3FFC];
	_ =	sdelay $0x3  }
0x94: {  	_ =	strace s3  }
0x95: {  	s3 =	sld [smem:$0x3FFD];
	_ =	sdelay $0x3  }
0x96: {  	_ =	strace s3  }
0x97: {  	_ =	strace $0x8FFFFFFF  }
0x98: {  	s19 =	sld [smem:$0x3FDB];
	_ =	sdelay $0x1  }
0x99: {  	s4 =	simm.s32 $_scs_section_size  }
0x9a: {  	s5 =	simm.s32 $_size__tile_overlayer_lowered;
	s6 =	simm.s32 $_tile_overlayer_lowered  }
0x9b: {  	s22 =	simm.s32 $0x1BFF;
	s21 =	sshll.u32 s6, $0x1;
	s3 =	sadd.s32 s4, s19  }
0x9c: {  	s7 =	simm.s32 $0x0;
	s20 =	sshll.u32 s5, $0x1;
	s5 =	sadd.s32 s21, s3  }
0x9d: {  	[timem:s7], [sflag:s22] =	dma.local [hbm:s5], s20  }
0x9e: {  	_ =	swait.ge [sflag:s22], s20  }
0x9f: {  	s4 =	ssub.s32 $0x0, s20;
	[sflag:s22] =	ssyncset.done $0x0  }
0xa0: {  	[sflag:s22] =	ssyncadd.s32 s4;
	_ =	sdelay $0x1  }
0xa1: {  	s23 =	simm.s32 $0x1B8B  }
0xa2: {  	_ =	swait.ge [sflag:s23], $0x1  }
0xa3: {  	[sflag:s23] =	ssyncset.done $0x0  }
0xa4: {  	s25 =	simm.s32 $0x1B8E;
	s24 =	sld [smem:$0x3FFE];
	[sflag:s23] =	ssyncadd.s32 $0xFFFFFFFF  }
0xa5: {  	s26 =	simm.s32 $execute0_lowered;
	[smem:$0x3FD2] =	sst s25  }
0xa6: {  	s5 =	sshll.u32 s26, $0x1;
	_ =	strace $0x80000046;
	[dreg:$0x1] =	wrdreg $0xFFFFFFFF  }
0xa7: {  	s28 =	simm.s32 $_size_execute0_lowered;
	s3 =	sadd.s32 s3, s5;
	[dreg:$0x0] =	wrdreg $0x0  }
0xa8: {  	s5 =	sshll.u32 s28, $0x1;
	[dreg:$0x2] =	wrdreg s3  }
0xa9: {  	[dreg:$0x3] =	wrdreg s5  }
0xaa: {  	[dreg:$0x4] =	wrdreg $0xC0  }
0xab: {  	_ =	task [dreg:s7], $0x5FFFF  }
0xac: {  	[dreg:$0x1] =	wrdreg $0xFFFFFFFF  }
0xad: {  	[dreg:$0x0] =	wrdreg $0x60  }
0xae: {  	[dreg:$0x2] =	wrdreg s2  }
0xaf: {  	[dreg:$0x3] =	wrdreg s24  }
0xb0: {  	[dreg:$0x4] =	wrdreg $0x9  }
0xb1: {  	_ =	task.clear_ibuf [dreg:s7], $0x5FFFF;
	_ =	strace $0x90000046  }
0xb2: {  	s29 =	simm.s32 $0x9;
	_ =	strace $0x80000048  }
0xb3: {  	_ =	swait.ge [sflag:s29], $0x1  }
0xb4: {  	[sflag:s29] =	ssyncadd.s32 $0xFFFFFFFF  }
0xb5: {  	_ =	strace $0x90000048  }
0xb6: {  	_ =	sfence  }
0xb7: {  	s30 =	sld [smem:$0x0];
	_ =	sdelay $0x2  }
0xb8: {  	s31 =	sshll.u32 s1, $0xD;
	s1 =	sshrl.u32 s1, $0x2  }
0xb9: {  	s3 =	sand.u32 $0x4000, s31;
	s1 =	sadd.s32 s1, s30  }
0xba: {  	s0 =	sor.u32 s3, s0;
	s1 =	sshll.u32 s1, $0x11  }
0xbb: {  	s0 =	sor.u32 s1, s0  }
0xbc: {  	s0 =	sadd.s32 $0x8F2B, s0  }
0xbd: {  	[sflag:s0] =	ssyncadd.remote.s32 $0x1  }
0xbe: {  	_ =	sfence.sel $0xFFFF  }
0xbf: {  	[dreg:$0x0] =	wrdreg $0xFFFFFFFF;
	(pc) =	sbr.abs _section_cstart, $3  }
0xc0: {  	[dreg:$0x1] =	wrdreg $0xFFFFFFFF  }
0xc1: {  	_ =	task.clear_ibuf [dreg:s7], $0x2FFFF;
	_ =	strace $0x9FFFFFFF  }
0xc2: {  	(tm) =	ssettm $0x7FFFFFFF  }
0xc3: {  	_ =	shalt  }
tec
execute0_lowered:
.L_overlay_start_1:
0x0: {  	(tag) =	ssettag $0x1  }
0x1: {  	s0 =	rddreg [dreg:$0x0]  }
0x2: {  	s1 =	rddreg [dreg:$0x1]  }
0x3: {  	s2 =	srdreg.scid;
	s3 =	stileid.u32;
	s26 =	simm.s32 $0x80  }
0x4: {  	s11 =	simm.s32 $0x1900;
	s12 =	simm.s32 $0x2100;
	s13 =	simm.s32 $0x2900  }
0x5: {  	s14 =	simm.s32 $0x3100;
	s15 =	simm.s32 $0x3900;
	s16 =	simm.s32 $0x4100  }
0x6: {  	s17 =	simm.s32 $0x4900;
	s18 =	simm.s32 $0x5100;
	s19 =	simm.s32 $0x5900  }
0x7: {  	s20 =	simm.s32 $0x6100;
	s21 =	simm.s32 $0x6900;
	s22 =	simm.s32 $0x7100  }
0x8: {  	s23 =	simm.s32 $0x7900;
	s28 =	simm.s32 $0x9900;
	s29 =	simm.s32 $0xA100  }
0x9: {  	s30 =	simm.s32 $0xA900;
	s31 =	simm.s32 $0xB100;
	s4 =	sand.u32 $0x1, s2  }
0xa: {  	s2 =	simm.s32 $0x0;
	s3 =	sshll.u32 s3, $0x5;
	s5 =	sshll.u32 s4, $0x4  }
0xb: {  	[smem:$0x7FF] =	sst s2;
	s4 =	ssub.s32 $0x2, s4;
	s5 =	sor.u32 s5, s3  }
0xc: {  	_ =	strace $0x80000047;
	s3 =	sadd.s32 $0x2000, s1;
	s24 =	sshrl.u32 s4, $0x1  }
0xd: {  	[dreg:$0x6] =	wrdreg s26;
	s26 =	simm.s32 $0x9100;
	s6 =	sadd.s32 s5, s1  }
0xe: {  	s5 =	smul.u32 $0x300, s5;
	s25 =	ssub.s32 s4, s24;
	s7 =	sadd.s32 $0x1C00, s6  }
0xf: {  	s4 =	sadd.s32 $0x2100, s1;
	s6 =	sadd.s32 $0x1E00, s6;
	[dreg:$0x3] =	wrdreg s7  }
0x10: {  	v2 =	vlaneseq.u32;
	s24 =	simm.s32 $0x8100;
	[dreg:$0x4] =	wrdreg s6;
	s0 =	sadd.s32 s0, s5  }
0x11: {  	vm0 =	vmmov $0xffff;
	v1 =	vshrl.u32 v2, $0x3;
	s5 =	sadd.s32 $0x2200, s1;
	s6 =	smax.u32 s25, $0x1;
	s7 =	simm.s32 $0x2  }
0x12: {  	v0 =	vand.u32 $0x7, v2;
	v2 =	vor.u32 $0x8, v2;
	v1 =	vmul.u32 $0x8, v1;
	s1 =	simm.s32 $0x1;
	s25 =	simm.s32 $0x8900;
	[dreg:$0x5] =	wrdreg s0  }
.LBB2_1:
0x13: {  	s9 =	rddreg [dreg:$0x3]  }
0x14: {  	[tilespmem:s2], [sflag:$0x2] =	stream.linear.gather [hbm4b:s9+s2], $0x80, $0x38;
	[tilespmem:$0x18100] =	vst v63  }
0x15: {  	_ =	swait.ge [sflag:s7], $0x80  }
0x16: {  	s0 =	rddreg [dreg:$0x4];
	[sflag:s7] =	ssyncset.done $0x0  }
0x17: {  	s10 =	rddreg [dreg:$0x6];
	[sflag:s7] =	ssyncadd.s32 $0xFFFFFF80  }
0x18: {  	[tilespmem:s10], [sflag:$0x2] =	stream.linear.gather [hbm4b:s0+s2], $0x80, $0x38;
	[tilespmem:$0x18100] =	vst v63  }
0x19: {  	_ =	swait.ge [sflag:s7], $0x80  }
0x1a: {  	[sflag:s7] =	ssyncset.done $0x0  }
0x1b: {  	s0 =	simm.s32 $0x100;
	s8 =	rddreg [dreg:$0x5];
	[sflag:s7] =	ssyncadd.s32 $0xFFFFFF80  }
0x1c: {  	[tilespmem:s0], [sflag:$0x2] =	stream.linear.gather [hbm4b:s8+s2], $0x18000, $0x38;
	[tilespmem:$0x18100] =	vst v63  }
0x1d: {  	_ =	swait.ge [sflag:s7], $0x18000  }
0x1e: {  	[sflag:s7] =	ssyncset.done $0x0  }
0x1f: {  	[sflag:s7] =	ssyncadd.s32 $0xFFFE8000  }
0x20: {  	v3 =	vld [tilespmem:$0x0];
	_ =	sdelay $0x4  }
0x21: {  	v4 =	vshrl.u32 v3, $0x3  }
0x22: {  	v4 =	vmul.u32 $0x30, v4  }
0x23: {  	v3 =	vand.u32 $0x7, v3  }
0x24: {  	v3 =	vor.u32 v3, v4  }
0x25: {  	v4 =	vperm.xlane v3, v0;
	_ =	sdelay $0x1  }
0x26: {  	v4 =	vadd.s32 v1, v4;
	_ =	sdelay $0x3  }
0x27: {  	v3 =	vperm.xlane v3, v2  }
0x28: {  	[hbm4b:s3+s2] =	stream.indirect_vreg.scatter [tilespmem:s0], [sflag:$0x1], $0x80, v4, vm0, $0xb8;
	[tilespmem:$0x18100] =	vst v63  }
0x29: {  	s9 =	simm.s32 $0x900;
	v3 =	vadd.s32 v1, v3  }
0x2a: {  	[hbm4b:s4+s2] =	stream.indirect_vreg.scatter [tilespmem:s9], [sflag:$0x1], $0x80, v4, vm0, $0xb8;
	[tilespmem:$0x18100] =	vst v63  }
0x2b: {  	s10 =	simm.s32 $0x1100  }
0x2c: {  	[hbm4b:s5+s2] =	stream.indirect_vreg.scatter [tilespmem:s10], [sflag:$0x1], $0x80, v4, vm0, $0xb8;
	[tilespmem:$0x18100] =	vst v63  }
0x2d: {  	_ = 	snop  }
0x2e: {  	[hbm4b:s3+s2] =	stream.indirect_vreg.scatter [tilespmem:s11], [sflag:$0x1], $0x80, v3, vm0, $0xb8;
	[tilespmem:$0x18100] =	vst v63  }
0x2f: {  	_ = 	snop  }
0x30: {  	[hbm4b:s4+s2] =	stream.indirect_vreg.scatter [tilespmem:s12], [sflag:$0x1], $0x80, v3, vm0, $0xb8;
	[tilespmem:$0x18100] =	vst v63  }
0x31: {  	_ = 	snop  }
0x32: {  	[hbm4b:s5+s2] =	stream.indirect_vreg.scatter [tilespmem:s13], [sflag:$0x1], $0x80, v3, vm0, $0xb8;
	[tilespmem:$0x18100] =	vst v63  }
0x33: {  	v3 =	vld [tilespmem:$0x10];
	_ =	sdelay $0x4  }
0x34: {  	v49 =	vshrl.u32 v3, $0x3  }
0x35: {  	v4 =	vmul.u32 $0x30, v49  }
0x36: {  	v3 =	vand.u32 $0x7, v3  }
0x37: {  	v3 =	vor.u32 v3, v4  }
0x38: {  	v4 =	vperm.xlane v3, v0;
	_ =	sdelay $0x1  }
0x39: {  	v4 =	vadd.s32 v1, v4;
	_ =	sdelay $0x3  }
0x3a: {  	v3 =	vperm.xlane v3, v2  }
0x3b: {  	[hbm4b:s3+s2] =	stream.indirect_vreg.scatter [tilespmem:s14], [sflag:$0x1], $0x80, v4, vm0, $0xb8;
	[tilespmem:$0x18100] =	vst v63  }
0x3c: {  	v3 =	vadd.s32 v1, v3  }
0x3d: {  	[hbm4b:s4+s2] =	stream.indirect_vreg.scatter [tilespmem:s15], [sflag:$0x1], $0x80, v4, vm0, $0xb8;
	[tilespmem:$0x18100] =	vst v63  }
0x3e: {  	_ = 	snop  }
0x3f: {  	[hbm4b:s5+s2] =	stream.indirect_vreg.scatter [tilespmem:s16], [sflag:$0x1], $0x80, v4, vm0, $0xb8;
	[tilespmem:$0x18100] =	vst v63  }
0x40: {  	_ = 	snop  }
0x41: {  	[hbm4b:s3+s2] =	stream.indirect_vreg.scatter [tilespmem:s17], [sflag:$0x1], $0x80, v3, vm0, $0xb8;
	[tilespmem:$0x18100] =	vst v63  }
0x42: {  	_ = 	snop  }
0x43: {  	[hbm4b:s4+s2] =	stream.indirect_vreg.scatter [tilespmem:s18], [sflag:$0x1], $0x80, v3, vm0, $0xb8;
	[tilespmem:$0x18100] =	vst v63  }
0x44: {  	_ = 	snop  }
0x45: {  	[hbm4b:s5+s2] =	stream.indirect_vreg.scatter [tilespmem:s19], [sflag:$0x1], $0x80, v3, vm0, $0xb8;
	[tilespmem:$0x18100] =	vst v63  }
0x46: {  	v3 =	vld [tilespmem:$0x20];
	_ =	sdelay $0x4  }
0x47: {  	v50 =	vshrl.u32 v3, $0x3  }
0x48: {  	v4 =	vmul.u32 $0x30, v50  }
0x49: {  	v3 =	vand.u32 $0x7, v3  }
0x4a: {  	v3 =	vor.u32 v3, v4  }
0x4b: {  	v4 =	vperm.xlane v3, v0;
	_ =	sdelay $0x1  }
0x4c: {  	v4 =	vadd.s32 v1, v4;
	_ =	sdelay $0x3  }
0x4d: {  	v3 =	vperm.xlane v3, v2  }
0x4e: {  	[hbm4b:s3+s2] =	stream.indirect_vreg.scatter [tilespmem:s20], [sflag:$0x1], $0x80, v4, vm0, $0xb8;
	[tilespmem:$0x18100] =	vst v63  }
0x4f: {  	v3 =	vadd.s32 v1, v3  }
0x50: {  	[hbm4b:s4+s2] =	stream.indirect_vreg.scatter [tilespmem:s21], [sflag:$0x1], $0x80, v4, vm0, $0xb8;
	[tilespmem:$0x18100] =	vst v63  }
0x51: {  	_ = 	snop  }
0x52: {  	[hbm4b:s5+s2] =	stream.indirect_vreg.scatter [tilespmem:s22], [sflag:$0x1], $0x80, v4, vm0, $0xb8;
	[tilespmem:$0x18100] =	vst v63  }
0x53: {  	_ = 	snop  }
0x54: {  	[hbm4b:s3+s2] =	stream.indirect_vreg.scatter [tilespmem:s23], [sflag:$0x1], $0x80, v3, vm0, $0xb8;
	[tilespmem:$0x18100] =	vst v63  }
0x55: {  	_ = 	snop  }
0x56: {  	[hbm4b:s4+s2] =	stream.indirect_vreg.scatter [tilespmem:s24], [sflag:$0x1], $0x80, v3, vm0, $0xb8;
	[tilespmem:$0x18100] =	vst v63  }
0x57: {  	_ = 	snop  }
0x58: {  	[hbm4b:s5+s2] =	stream.indirect_vreg.scatter [tilespmem:s25], [sflag:$0x1], $0x80, v3, vm0, $0xb8;
	[tilespmem:$0x18100] =	vst v63  }
0x59: {  	v3 =	vld [tilespmem:$0x30];
	_ =	sdelay $0x4  }
0x5a: {  	v51 =	vshrl.u32 v3, $0x3  }
0x5b: {  	v4 =	vmul.u32 $0x30, v51  }
0x5c: {  	v3 =	vand.u32 $0x7, v3  }
0x5d: {  	v3 =	vor.u32 v3, v4  }
0x5e: {  	v4 =	vperm.xlane v3, v0;
	_ =	sdelay $0x1  }
0x5f: {  	v4 =	vadd.s32 v1, v4;
	_ =	sdelay $0x3  }
0x60: {  	v3 =	vperm.xlane v3, v2  }
0x61: {  	[hbm4b:s3+s2] =	stream.indirect_vreg.scatter [tilespmem:s26], [sflag:$0x1], $0x80, v4, vm0, $0xb8;
	[tilespmem:$0x18100] =	vst v63  }
0x62: {  	v3 =	vadd.s32 v1, v3  }
0x63: {  	[hbm4b:s4+s2] =	stream.indirect_vreg.scatter [tilespmem:s28], [sflag:$0x1], $0x80, v4, vm0, $0xb8;
	[tilespmem:$0x18100] =	vst v63  }
0x64: {  	_ = 	snop  }
0x65: {  	[hbm4b:s5+s2] =	stream.indirect_vreg.scatter [tilespmem:s29], [sflag:$0x1], $0x80, v4, vm0, $0xb8;
	[tilespmem:$0x18100] =	vst v63  }
0x66: {  	_ = 	snop  }
0x67: {  	[hbm4b:s3+s2] =	stream.indirect_vreg.scatter [tilespmem:s30], [sflag:$0x1], $0x80, v3, vm0, $0xb8;
	[tilespmem:$0x18100] =	vst v63  }
0x68: {  	_ = 	snop  }
0x69: {  	[hbm4b:s4+s2] =	stream.indirect_vreg.scatter [tilespmem:s31], [sflag:$0x1], $0x80, v3, vm0, $0xb8;
	[tilespmem:$0x18100] =	vst v63  }
0x6a: {  	s8 =	simm.s32 $0xB900  }
0x6b: {  	[hbm4b:s5+s2] =	stream.indirect_vreg.scatter [tilespmem:s8], [sflag:$0x1], $0x80, v3, vm0, $0xb8;
	[tilespmem:$0x18100] =	vst v63  }
0x6c: {  	v3 =	vld [tilespmem:$0x40];
	_ =	sdelay $0x4  }
0x6d: {  	v52 =	vshrl.u32 v3, $0x3  }
0x6e: {  	v4 =	vmul.u32 $0x30, v52  }
0x6f: {  	v3 =	vand.u32 $0x7, v3  }
0x70: {  	v3 =	vor.u32 v3, v4  }
0x71: {  	v4 =	vperm.xlane v3, v0;
	_ =	sdelay $0x1  }
0x72: {  	v4 =	vadd.s32 v1, v4;
	_ =	sdelay $0x3  }
0x73: {  	s8 =	simm.s32 $0xC100;
	v3 =	vperm.xlane v3, v2  }
0x74: {  	[hbm4b:s3+s2] =	stream.indirect_vreg.scatter [tilespmem:s8], [sflag:$0x1], $0x80, v4, vm0, $0xb8;
	[tilespmem:$0x18100] =	vst v63  }
0x75: {  	v3 =	vadd.s32 v1, v3;
	s8 =	simm.s32 $0xC900  }
0x76: {  	[hbm4b:s4+s2] =	stream.indirect_vreg.scatter [tilespmem:s8], [sflag:$0x1], $0x80, v4, vm0, $0xb8;
	[tilespmem:$0x18100] =	vst v63  }
0x77: {  	s8 =	simm.s32 $0xD100  }
0x78: {  	[hbm4b:s5+s2] =	stream.indirect_vreg.scatter [tilespmem:s8], [sflag:$0x1], $0x80, v4, vm0, $0xb8;
	[tilespmem:$0x18100] =	vst v63  }
0x79: {  	s8 =	simm.s32 $0xD900  }
0x7a: {  	[hbm4b:s3+s2] =	stream.indirect_vreg.scatter [tilespmem:s8], [sflag:$0x1], $0x80, v3, vm0, $0xb8;
	[tilespmem:$0x18100] =	vst v63  }
0x7b: {  	s8 =	simm.s32 $0xE100  }
0x7c: {  	[hbm4b:s4+s2] =	stream.indirect_vreg.scatter [tilespmem:s8], [sflag:$0x1], $0x80, v3, vm0, $0xb8;
	[tilespmem:$0x18100] =	vst v63  }
0x7d: {  	s8 =	simm.s32 $0xE900  }
0x7e: {  	[hbm4b:s5+s2] =	stream.indirect_vreg.scatter [tilespmem:s8], [sflag:$0x1], $0x80, v3, vm0, $0xb8;
	[tilespmem:$0x18100] =	vst v63  }
0x7f: {  	v3 =	vld [tilespmem:$0x50];
	_ =	sdelay $0x4  }
0x80: {  	v53 =	vshrl.u32 v3, $0x3  }
0x81: {  	v4 =	vmul.u32 $0x30, v53  }
0x82: {  	v3 =	vand.u32 $0x7, v3  }
0x83: {  	v3 =	vor.u32 v3, v4  }
0x84: {  	v4 =	vperm.xlane v3, v0;
	_ =	sdelay $0x1  }
0x85: {  	v4 =	vadd.s32 v1, v4;
	_ =	sdelay $0x3  }
0x86: {  	s8 =	simm.s32 $0xF100;
	v3 =	vperm.xlane v3, v2  }
0x87: {  	[hbm4b:s3+s2] =	stream.indirect_vreg.scatter [tilespmem:s8], [sflag:$0x1], $0x80, v4, vm0, $0xb8;
	[tilespmem:$0x18100] =	vst v63  }
0x88: {  	v3 =	vadd.s32 v1, v3;
	s8 =	simm.s32 $0xF900  }
0x89: {  	[hbm4b:s4+s2] =	stream.indirect_vreg.scatter [tilespmem:s8], [sflag:$0x1], $0x80, v4, vm0, $0xb8;
	[tilespmem:$0x18100] =	vst v63  }
0x8a: {  	s8 =	simm.s32 $0x10100  }
0x8b: {  	[hbm4b:s5+s2] =	stream.indirect_vreg.scatter [tilespmem:s8], [sflag:$0x1], $0x80, v4, vm0, $0xb8;
	[tilespmem:$0x18100] =	vst v63  }
0x8c: {  	s8 =	simm.s32 $0x10900  }
0x8d: {  	[hbm4b:s3+s2] =	stream.indirect_vreg.scatter [tilespmem:s8], [sflag:$0x1], $0x80, v3, vm0, $0xb8;
	[tilespmem:$0x18100] =	vst v63  }
0x8e: {  	s8 =	simm.s32 $0x11100  }
0x8f: {  	[hbm4b:s4+s2] =	stream.indirect_vreg.scatter [tilespmem:s8], [sflag:$0x1], $0x80, v3, vm0, $0xb8;
	[tilespmem:$0x18100] =	vst v63  }
0x90: {  	s8 =	simm.s32 $0x11900  }
0x91: {  	[hbm4b:s5+s2] =	stream.indirect_vreg.scatter [tilespmem:s8], [sflag:$0x1], $0x80, v3, vm0, $0xb8;
	[tilespmem:$0x18100] =	vst v63  }
0x92: {  	v3 =	vld [tilespmem:$0x60];
	_ =	sdelay $0x4  }
0x93: {  	v54 =	vshrl.u32 v3, $0x3  }
0x94: {  	v4 =	vmul.u32 $0x30, v54  }
0x95: {  	v3 =	vand.u32 $0x7, v3  }
0x96: {  	v3 =	vor.u32 v3, v4  }
0x97: {  	v4 =	vperm.xlane v3, v0;
	_ =	sdelay $0x1  }
0x98: {  	v4 =	vadd.s32 v1, v4;
	_ =	sdelay $0x3  }
0x99: {  	s8 =	simm.s32 $0x12100;
	v3 =	vperm.xlane v3, v2  }
0x9a: {  	[hbm4b:s3+s2] =	stream.indirect_vreg.scatter [tilespmem:s8], [sflag:$0x1], $0x80, v4, vm0, $0xb8;
	[tilespmem:$0x18100] =	vst v63  }
0x9b: {  	v3 =	vadd.s32 v1, v3;
	s8 =	simm.s32 $0x12900  }
0x9c: {  	[hbm4b:s4+s2] =	stream.indirect_vreg.scatter [tilespmem:s8], [sflag:$0x1], $0x80, v4, vm0, $0xb8;
	[tilespmem:$0x18100] =	vst v63  }
0x9d: {  	s8 =	simm.s32 $0x13100  }
0x9e: {  	[hbm4b:s5+s2] =	stream.indirect_vreg.scatter [tilespmem:s8], [sflag:$0x1], $0x80, v4, vm0, $0xb8;
	[tilespmem:$0x18100] =	vst v63  }
0x9f: {  	s8 =	simm.s32 $0x13900  }
0xa0: {  	[hbm4b:s3+s2] =	stream.indirect_vreg.scatter [tilespmem:s8], [sflag:$0x1], $0x80, v3, vm0, $0xb8;
	[tilespmem:$0x18100] =	vst v63  }
0xa1: {  	s8 =	simm.s32 $0x14100  }
0xa2: {  	[hbm4b:s4+s2] =	stream.indirect_vreg.scatter [tilespmem:s8], [sflag:$0x1], $0x80, v3, vm0, $0xb8;
	[tilespmem:$0x18100] =	vst v63  }
0xa3: {  	s8 =	simm.s32 $0x14900  }
0xa4: {  	[hbm4b:s5+s2] =	stream.indirect_vreg.scatter [tilespmem:s8], [sflag:$0x1], $0x80, v3, vm0, $0xb8;
	[tilespmem:$0x18100] =	vst v63  }
0xa5: {  	v3 =	vld [tilespmem:$0x70];
	_ =	sdelay $0x4  }
0xa6: {  	v55 =	vshrl.u32 v3, $0x3  }
0xa7: {  	v4 =	vmul.u32 $0x30, v55  }
0xa8: {  	v3 =	vand.u32 $0x7, v3  }
0xa9: {  	v3 =	vor.u32 v3, v4  }
0xaa: {  	v4 =	vperm.xlane v3, v0;
	_ =	sdelay $0x1  }
0xab: {  	v4 =	vadd.s32 v1, v4;
	_ =	sdelay $0x3  }
0xac: {  	s8 =	simm.s32 $0x15100;
	v3 =	vperm.xlane v3, v2  }
0xad: {  	[hbm4b:s3+s2] =	stream.indirect_vreg.scatter [tilespmem:s8], [sflag:$0x1], $0x80, v4, vm0, $0xb8;
	[tilespmem:$0x18100] =	vst v63  }
0xae: {  	v3 =	vadd.s32 v1, v3;
	s8 =	simm.s32 $0x15900  }
0xaf: {  	[hbm4b:s4+s2] =	stream.indirect_vreg.scatter [tilespmem:s8], [sflag:$0x1], $0x80, v4, vm0, $0xb8;
	[tilespmem:$0x18100] =	vst v63  }
0xb0: {  	s8 =	simm.s32 $0x16100  }
0xb1: {  	[hbm4b:s5+s2] =	stream.indirect_vreg.scatter [tilespmem:s8], [sflag:$0x1], $0x80, v4, vm0, $0xb8;
	[tilespmem:$0x18100] =	vst v63  }
0xb2: {  	s8 =	simm.s32 $0x16900  }
0xb3: {  	[hbm4b:s3+s2] =	stream.indirect_vreg.scatter [tilespmem:s8], [sflag:$0x1], $0x80, v3, vm0, $0xb8;
	[tilespmem:$0x18100] =	vst v63  }
0xb4: {  	s8 =	simm.s32 $0x17100  }
0xb5: {  	[hbm4b:s4+s2] =	stream.indirect_vreg.scatter [tilespmem:s8], [sflag:$0x1], $0x80, v3, vm0, $0xb8;
	[tilespmem:$0x18100] =	vst v63  }
0xb6: {  	s8 =	simm.s32 $0x17900  }
0xb7: {  	[hbm4b:s5+s2] =	stream.indirect_vreg.scatter [tilespmem:s8], [sflag:$0x1], $0x80, v3, vm0, $0xb8;
	[tilespmem:$0x18100] =	vst v63  }
0xb8: {  	_ =	swait.ge [sflag:s1], $0x18000  }
0xb9: {  	[sflag:s1] =	ssyncset.done $0x0  }
0xba: {  	[sflag:s1] =	ssyncadd.s32 $0xFFFE8000  }
0xbb: {  	v3 =	vld [tilespmem:$0x80];
	_ =	sdelay $0x4  }
0xbc: {  	v56 =	vshrl.u32 v3, $0x3  }
0xbd: {  	v4 =	vmul.u32 $0x30, v56  }
0xbe: {  	v3 =	vand.u32 $0x7, v3  }
0xbf: {  	v3 =	vor.u32 v3, v4  }
0xc0: {  	v4 =	vperm.xlane v3, v0;
	_ =	sdelay $0x1  }
0xc1: {  	v4 =	vadd.s32 v1, v4;
	_ =	sdelay $0x3  }
0xc2: {  	v3 =	vperm.xlane v3, v2  }
0xc3: {  	[hbm4b:s3+s2] =	stream.indirect_vreg.scatter [tilespmem:s0], [sflag:$0x1], $0x80, v4, vm0, $0xb8;
	[tilespmem:$0x18100] =	vst v63  }
0xc4: {  	v3 =	vadd.s32 v1, v3  }
0xc5: {  	[hbm4b:s4+s2] =	stream.indirect_vreg.scatter [tilespmem:s9], [sflag:$0x1], $0x80, v4, vm0, $0xb8;
	[tilespmem:$0x18100] =	vst v63  }
0xc6: {  	_ = 	snop  }
0xc7: {  	[hbm4b:s5+s2] =	stream.indirect_vreg.scatter [tilespmem:s10], [sflag:$0x1], $0x80, v4, vm0, $0xb8;
	[tilespmem:$0x18100] =	vst v63  }
0xc8: {  	_ = 	snop  }
0xc9: {  	[hbm4b:s3+s2] =	stream.indirect_vreg.scatter [tilespmem:s11], [sflag:$0x1], $0x80, v3, vm0, $0xb8;
	[tilespmem:$0x18100] =	vst v63  }
0xca: {  	_ = 	snop  }
0xcb: {  	[hbm4b:s4+s2] =	stream.indirect_vreg.scatter [tilespmem:s12], [sflag:$0x1], $0x80, v3, vm0, $0xb8;
	[tilespmem:$0x18100] =	vst v63  }
0xcc: {  	_ = 	snop  }
0xcd: {  	[hbm4b:s5+s2] =	stream.indirect_vreg.scatter [tilespmem:s13], [sflag:$0x1], $0x80, v3, vm0, $0xb8;
	[tilespmem:$0x18100] =	vst v63  }
0xce: {  	v3 =	vld [tilespmem:$0x90];
	_ =	sdelay $0x4  }
0xcf: {  	v57 =	vshrl.u32 v3, $0x3  }
0xd0: {  	v4 =	vmul.u32 $0x30, v57  }
0xd1: {  	v3 =	vand.u32 $0x7, v3  }
0xd2: {  	v3 =	vor.u32 v3, v4  }
0xd3: {  	v4 =	vperm.xlane v3, v0;
	_ =	sdelay $0x1  }
0xd4: {  	v4 =	vadd.s32 v1, v4;
	_ =	sdelay $0x3  }
0xd5: {  	v3 =	vperm.xlane v3, v2  }
0xd6: {  	[hbm4b:s3+s2] =	stream.indirect_vreg.scatter [tilespmem:s14], [sflag:$0x1], $0x80, v4, vm0, $0xb8;
	[tilespmem:$0x18100] =	vst v63  }
0xd7: {  	v3 =	vadd.s32 v1, v3  }
0xd8: {  	[hbm4b:s4+s2] =	stream.indirect_vreg.scatter [tilespmem:s15], [sflag:$0x1], $0x80, v4, vm0, $0xb8;
	[tilespmem:$0x18100] =	vst v63  }
0xd9: {  	_ = 	snop  }
0xda: {  	[hbm4b:s5+s2] =	stream.indirect_vreg.scatter [tilespmem:s16], [sflag:$0x1], $0x80, v4, vm0, $0xb8;
	[tilespmem:$0x18100] =	vst v63  }
0xdb: {  	_ = 	snop  }
0xdc: {  	[hbm4b:s3+s2] =	stream.indirect_vreg.scatter [tilespmem:s17], [sflag:$0x1], $0x80, v3, vm0, $0xb8;
	[tilespmem:$0x18100] =	vst v63  }
0xdd: {  	_ = 	snop  }
0xde: {  	[hbm4b:s4+s2] =	stream.indirect_vreg.scatter [tilespmem:s18], [sflag:$0x1], $0x80, v3, vm0, $0xb8;
	[tilespmem:$0x18100] =	vst v63  }
0xdf: {  	_ = 	snop  }
0xe0: {  	[hbm4b:s5+s2] =	stream.indirect_vreg.scatter [tilespmem:s19], [sflag:$0x1], $0x80, v3, vm0, $0xb8;
	[tilespmem:$0x18100] =	vst v63  }
0xe1: {  	v3 =	vld [tilespmem:$0xA0];
	_ =	sdelay $0x4  }
0xe2: {  	v58 =	vshrl.u32 v3, $0x3  }
0xe3: {  	v4 =	vmul.u32 $0x30, v58  }
0xe4: {  	v3 =	vand.u32 $0x7, v3  }
0xe5: {  	v3 =	vor.u32 v3, v4  }
0xe6: {  	v4 =	vperm.xlane v3, v0;
	_ =	sdelay $0x1  }
0xe7: {  	v4 =	vadd.s32 v1, v4;
	_ =	sdelay $0x3  }
0xe8: {  	v3 =	vperm.xlane v3, v2  }
0xe9: {  	[hbm4b:s3+s2] =	stream.indirect_vreg.scatter [tilespmem:s20], [sflag:$0x1], $0x80, v4, vm0, $0xb8;
	[tilespmem:$0x18100] =	vst v63  }
0xea: {  	v3 =	vadd.s32 v1, v3  }
0xeb: {  	[hbm4b:s4+s2] =	stream.indirect_vreg.scatter [tilespmem:s21], [sflag:$0x1], $0x80, v4, vm0, $0xb8;
	[tilespmem:$0x18100] =	vst v63  }
0xec: {  	_ = 	snop  }
0xed: {  	[hbm4b:s5+s2] =	stream.indirect_vreg.scatter [tilespmem:s22], [sflag:$0x1], $0x80, v4, vm0, $0xb8;
	[tilespmem:$0x18100] =	vst v63  }
0xee: {  	_ = 	snop  }
0xef: {  	[hbm4b:s3+s2] =	stream.indirect_vreg.scatter [tilespmem:s23], [sflag:$0x1], $0x80, v3, vm0, $0xb8;
	[tilespmem:$0x18100] =	vst v63  }
0xf0: {  	_ = 	snop  }
0xf1: {  	[hbm4b:s4+s2] =	stream.indirect_vreg.scatter [tilespmem:s24], [sflag:$0x1], $0x80, v3, vm0, $0xb8;
	[tilespmem:$0x18100] =	vst v63  }
0xf2: {  	_ = 	snop  }
0xf3: {  	[hbm4b:s5+s2] =	stream.indirect_vreg.scatter [tilespmem:s25], [sflag:$0x1], $0x80, v3, vm0, $0xb8;
	[tilespmem:$0x18100] =	vst v63  }
0xf4: {  	v3 =	vld [tilespmem:$0xB0];
	_ =	sdelay $0x4  }
0xf5: {  	v59 =	vshrl.u32 v3, $0x3  }
0xf6: {  	v4 =	vmul.u32 $0x30, v59  }
0xf7: {  	v3 =	vand.u32 $0x7, v3  }
0xf8: {  	v3 =	vor.u32 v3, v4  }
0xf9: {  	v4 =	vperm.xlane v3, v0;
	_ =	sdelay $0x1  }
0xfa: {  	v4 =	vadd.s32 v1, v4;
	_ =	sdelay $0x3  }
0xfb: {  	v3 =	vperm.xlane v3, v2  }
0xfc: {  	[hbm4b:s3+s2] =	stream.indirect_vreg.scatter [tilespmem:s26], [sflag:$0x1], $0x80, v4, vm0, $0xb8;
	[tilespmem:$0x18100] =	vst v63  }
0xfd: {  	v3 =	vadd.s32 v1, v3  }
0xfe: {  	[hbm4b:s4+s2] =	stream.indirect_vreg.scatter [tilespmem:s28], [sflag:$0x1], $0x80, v4, vm0, $0xb8;
	[tilespmem:$0x18100] =	vst v63  }
0xff: {  	_ = 	snop  }
0x100: {  	[hbm4b:s5+s2] =	stream.indirect_vreg.scatter [tilespmem:s29], [sflag:$0x1], $0x80, v4, vm0, $0xb8;
	[tilespmem:$0x18100] =	vst v63  }
0x101: {  	_ = 	snop  }
0x102: {  	[hbm4b:s3+s2] =	stream.indirect_vreg.scatter [tilespmem:s30], [sflag:$0x1], $0x80, v3, vm0, $0xb8;
	[tilespmem:$0x18100] =	vst v63  }
0x103: {  	_ = 	snop  }
0x104: {  	[hbm4b:s4+s2] =	stream.indirect_vreg.scatter [tilespmem:s31], [sflag:$0x1], $0x80, v3, vm0, $0xb8;
	[tilespmem:$0x18100] =	vst v63  }
0x105: {  	s9 =	simm.s32 $0xB900  }
0x106: {  	[hbm4b:s5+s2] =	stream.indirect_vreg.scatter [tilespmem:s9], [sflag:$0x1], $0x80, v3, vm0, $0xb8;
	[tilespmem:$0x18100] =	vst v63  }
0x107: {  	v3 =	vld [tilespmem:$0xC0];
	_ =	sdelay $0x4  }
0x108: {  	v60 =	vshrl.u32 v3, $0x3  }
0x109: {  	v4 =	vmul.u32 $0x30, v60  }
0x10a: {  	v3 =	vand.u32 $0x7, v3  }
0x10b: {  	v3 =	vor.u32 v3, v4  }
0x10c: {  	v4 =	vperm.xlane v3, v0;
	_ =	sdelay $0x1  }
0x10d: {  	v4 =	vadd.s32 v1, v4;
	_ =	sdelay $0x3  }
0x10e: {  	s10 =	simm.s32 $0xC100;
	v3 =	vperm.xlane v3, v2  }
0x10f: {  	[hbm4b:s3+s2] =	stream.indirect_vreg.scatter [tilespmem:s10], [sflag:$0x1], $0x80, v4, vm0, $0xb8;
	[tilespmem:$0x18100] =	vst v63  }
0x110: {  	s9 =	simm.s32 $0xC900;
	v3 =	vadd.s32 v1, v3  }
0x111: {  	[hbm4b:s4+s2] =	stream.indirect_vreg.scatter [tilespmem:s9], [sflag:$0x1], $0x80, v4, vm0, $0xb8;
	[tilespmem:$0x18100] =	vst v63  }
0x112: {  	s10 =	simm.s32 $0xD100  }
0x113: {  	[hbm4b:s5+s2] =	stream.indirect_vreg.scatter [tilespmem:s10], [sflag:$0x1], $0x80, v4, vm0, $0xb8;
	[tilespmem:$0x18100] =	vst v63  }
0x114: {  	s9 =	simm.s32 $0xD900  }
0x115: {  	[hbm4b:s3+s2] =	stream.indirect_vreg.scatter [tilespmem:s9], [sflag:$0x1], $0x80, v3, vm0, $0xb8;
	[tilespmem:$0x18100] =	vst v63  }
0x116: {  	s10 =	simm.s32 $0xE100  }
0x117: {  	[hbm4b:s4+s2] =	stream.indirect_vreg.scatter [tilespmem:s10], [sflag:$0x1], $0x80, v3, vm0, $0xb8;
	[tilespmem:$0x18100] =	vst v63  }
0x118: {  	s9 =	simm.s32 $0xE900  }
0x119: {  	[hbm4b:s5+s2] =	stream.indirect_vreg.scatter [tilespmem:s9], [sflag:$0x1], $0x80, v3, vm0, $0xb8;
	[tilespmem:$0x18100] =	vst v63  }
0x11a: {  	v3 =	vld [tilespmem:$0xD0];
	_ =	sdelay $0x4  }
0x11b: {  	v61 =	vshrl.u32 v3, $0x3  }
0x11c: {  	v4 =	vmul.u32 $0x30, v61  }
0x11d: {  	v3 =	vand.u32 $0x7, v3  }
0x11e: {  	v3 =	vor.u32 v3, v4  }
0x11f: {  	v4 =	vperm.xlane v3, v0;
	_ =	sdelay $0x1  }
0x120: {  	v4 =	vadd.s32 v1, v4;
	_ =	sdelay $0x3  }
0x121: {  	s10 =	simm.s32 $0xF100;
	v3 =	vperm.xlane v3, v2  }
0x122: {  	[hbm4b:s3+s2] =	stream.indirect_vreg.scatter [tilespmem:s10], [sflag:$0x1], $0x80, v4, vm0, $0xb8;
	[tilespmem:$0x18100] =	vst v63  }
0x123: {  	s9 =	simm.s32 $0xF900;
	v3 =	vadd.s32 v1, v3  }
0x124: {  	[hbm4b:s4+s2] =	stream.indirect_vreg.scatter [tilespmem:s9], [sflag:$0x1], $0x80, v4, vm0, $0xb8;
	[tilespmem:$0x18100] =	vst v63  }
0x125: {  	s10 =	simm.s32 $0x10100  }
0x126: {  	[hbm4b:s5+s2] =	stream.indirect_vreg.scatter [tilespmem:s10], [sflag:$0x1], $0x80, v4, vm0, $0xb8;
	[tilespmem:$0x18100] =	vst v63  }
0x127: {  	s9 =	simm.s32 $0x10900  }
0x128: {  	[hbm4b:s3+s2] =	stream.indirect_vreg.scatter [tilespmem:s9], [sflag:$0x1], $0x80, v3, vm0, $0xb8;
	[tilespmem:$0x18100] =	vst v63  }
0x129: {  	s10 =	simm.s32 $0x11100  }
0x12a: {  	[hbm4b:s4+s2] =	stream.indirect_vreg.scatter [tilespmem:s10], [sflag:$0x1], $0x80, v3, vm0, $0xb8;
	[tilespmem:$0x18100] =	vst v63  }
0x12b: {  	s9 =	simm.s32 $0x11900  }
0x12c: {  	[hbm4b:s5+s2] =	stream.indirect_vreg.scatter [tilespmem:s9], [sflag:$0x1], $0x80, v3, vm0, $0xb8;
	[tilespmem:$0x18100] =	vst v63  }
0x12d: {  	v3 =	vld [tilespmem:$0xE0];
	_ =	sdelay $0x4  }
0x12e: {  	v62 =	vshrl.u32 v3, $0x3  }
0x12f: {  	v4 =	vmul.u32 $0x30, v62  }
0x130: {  	v3 =	vand.u32 $0x7, v3  }
0x131: {  	v3 =	vor.u32 v3, v4  }
0x132: {  	v4 =	vperm.xlane v3, v0;
	_ =	sdelay $0x1  }
0x133: {  	v4 =	vadd.s32 v1, v4;
	_ =	sdelay $0x3  }
0x134: {  	s10 =	simm.s32 $0x12100;
	v3 =	vperm.xlane v3, v2  }
0x135: {  	[hbm4b:s3+s2] =	stream.indirect_vreg.scatter [tilespmem:s10], [sflag:$0x1], $0x80, v4, vm0, $0xb8;
	[tilespmem:$0x18100] =	vst v63  }
0x136: {  	s9 =	simm.s32 $0x12900;
	v3 =	vadd.s32 v1, v3  }
0x137: {  	[hbm4b:s4+s2] =	stream.indirect_vreg.scatter [tilespmem:s9], [sflag:$0x1], $0x80, v4, vm0, $0xb8;
	[tilespmem:$0x18100] =	vst v63  }
0x138: {  	s10 =	simm.s32 $0x13100  }
0x139: {  	[hbm4b:s5+s2] =	stream.indirect_vreg.scatter [tilespmem:s10], [sflag:$0x1], $0x80, v4, vm0, $0xb8;
	[tilespmem:$0x18100] =	vst v63  }
0x13a: {  	s9 =	simm.s32 $0x13900  }
0x13b: {  	[hbm4b:s3+s2] =	stream.indirect_vreg.scatter [tilespmem:s9], [sflag:$0x1], $0x80, v3, vm0, $0xb8;
	[tilespmem:$0x18100] =	vst v63  }
0x13c: {  	s10 =	simm.s32 $0x14100  }
0x13d: {  	[hbm4b:s4+s2] =	stream.indirect_vreg.scatter [tilespmem:s10], [sflag:$0x1], $0x80, v3, vm0, $0xb8;
	[tilespmem:$0x18100] =	vst v63  }
0x13e: {  	s9 =	simm.s32 $0x14900  }
0x13f: {  	[hbm4b:s5+s2] =	stream.indirect_vreg.scatter [tilespmem:s9], [sflag:$0x1], $0x80, v3, vm0, $0xb8;
	[tilespmem:$0x18100] =	vst v63  }
0x140: {  	v3 =	vld [tilespmem:$0xF0];
	_ =	sdelay $0x4  }
0x141: {  	v63 =	vshrl.u32 v3, $0x3  }
0x142: {  	v4 =	vmul.u32 $0x30, v63  }
0x143: {  	v3 =	vand.u32 $0x7, v3  }
0x144: {  	v3 =	vor.u32 v3, v4  }
0x145: {  	v4 =	vperm.xlane v3, v0;
	_ =	sdelay $0x1  }
0x146: {  	v4 =	vadd.s32 v1, v4;
	_ =	sdelay $0x3  }
0x147: {  	s10 =	simm.s32 $0x15100;
	v3 =	vperm.xlane v3, v2  }
0x148: {  	[hbm4b:s3+s2] =	stream.indirect_vreg.scatter [tilespmem:s10], [sflag:$0x1], $0x80, v4, vm0, $0xb8;
	[tilespmem:$0x18100] =	vst v63  }
0x149: {  	s9 =	simm.s32 $0x15900;
	v3 =	vadd.s32 v1, v3  }
0x14a: {  	[hbm4b:s4+s2] =	stream.indirect_vreg.scatter [tilespmem:s9], [sflag:$0x1], $0x80, v4, vm0, $0xb8;
	[tilespmem:$0x18100] =	vst v63  }
0x14b: {  	s10 =	simm.s32 $0x16100  }
0x14c: {  	[hbm4b:s5+s2] =	stream.indirect_vreg.scatter [tilespmem:s10], [sflag:$0x1], $0x80, v4, vm0, $0xb8;
	[tilespmem:$0x18100] =	vst v63  }
0x14d: {  	s9 =	simm.s32 $0x16900  }
0x14e: {  	[hbm4b:s3+s2] =	stream.indirect_vreg.scatter [tilespmem:s9], [sflag:$0x1], $0x80, v3, vm0, $0xb8;
	[tilespmem:$0x18100] =	vst v63  }
0x14f: {  	p0 =	sne.s32 s6, $0x1;
	s10 =	simm.s32 $0x17100  }
0x150: {  	[hbm4b:s4+s2] =	stream.indirect_vreg.scatter [tilespmem:s10], [sflag:$0x1], $0x80, v3, vm0, $0xb8;
	[tilespmem:$0x18100] =	vst v63  }
.Ltmp0:
0x151: {  	s8 =	simm.s32 $0x17900;
	(pc) =	sbr.rel @p0 .LBB2_1-.Ltmp0, $4  }
0x152: {  	[hbm4b:s5+s2] =	stream.indirect_vreg.scatter [tilespmem:s8], [sflag:$0x1], $0x80, v3, vm0, $0xb8;
	[tilespmem:$0x18100] =	vst v63  }
0x153: {  	_ =	swait.ge [sflag:s1], $0x18000  }
0x154: {  	[sflag:s1] =	ssyncset.done $0x0  }
0x155: {  	s6 =	sadd.s32 $0xFFFFFFFF, s6;
	[sflag:s1] =	ssyncadd.s32 $0xFFFE8000  }
0x156: {  	_ =	sfence.sel $0x180000  }
0x157: {  	[bflag:$0x0] =	sbarrier.arrive $0xFFFF  }
0x158: {  	_ =	strace $0x90000047  }
0x159: {  	s0 =	stileid.u32;
	[bflag:$0x2] =	sbarrier.arrive $0xFFFF  }
0x15a: {  	p0 =	sne.s32 s0, $0x0;
	s0 =	rddreg [dreg:$0x2]  }
0x15b: {  	s0 =	sadd.s32 @!p0 $0x100000, s0  }
0x15c: {  	[sflag:s0] =	ssyncadd.tile.s32 @!p0 $0x1;
	_ =	shalt  }
.Lfunc_end2:
_tile_overlayer_lowered:
.L_overlay_start_2:
0x15d: {  	(tag) =	ssettag $0x2  }
0x15e: {  	s0 =	rddreg [dreg:$0x0];
	s2 =	stileid.u32  }
0x15f: {  	s1 =	rddreg [dreg:$0x1];
	p0 =	sne.s32 s2, $0x0  }
0x160: {  	s3 =	rddreg [dreg:$0x2];
	[bflag:$0x3] =	sbarrier.arrive $0xFFFF;
	s2 =	simm.s32 @!p0 $0x1C02  }
0x161: {  	[timem:s3], [sflag:s2] =	dma.local @!p0 [hbm:s0], s1  }
0x162: {  	s0 =	simm.s32 @!p0 $0x2  }
0x163: {  	_ =	swait.ge @!p0 [sflag:s0], s1  }
0x164: {  	s1 =	ssub.s32 @!p0 $0x0, s1;
	[sflag:s0] =	ssyncset.done @!p0 $0x0  }
0x165: {  	[sflag:s0] =	ssyncadd.s32 @!p0 s1  }
0x166: {  	[bflag:$0x3] =	sbarrier.arrive $0xFFFF  }
0x167: {  	_ =	shalt  }

// kernel: kernel.16.cloned.1.call-start
scs
__scs_entry_jumppad:
0x0: {  	(pc) =	sbr.rel $0x88, $3  }
0x1: {  	(tag) =	ssettag $0x0;
	lr =	simm.s32 $0x1  }
0x2: {  	[smem:$0x3F8E] =	sst lr;
	_ =	strace $0xD0000000  }
0x3: {  	_ = 	snop  }
0x4: {  	_ = 	snop  }
0x5: {  	_ = 	snop  }
0x6: {  	_ = 	snop  }
0x7: {  	_ = 	snop  }
__scs_overlays_trampoline_lowered:
0x8: {  	[smem:$0x3F9D] =	sst s0  }
0x9: {  	[smem:$0x3F9E] =	sst s1  }
0xa: {  	[smem:$0x3F9F] =	sst s2  }
0xb: {  	[smem:$0x3FA0] =	sst s3  }
0xc: {  	[smem:$0x3FA1] =	sst s4  }
0xd: {  	[smem:$0x3FA2] =	sst s5  }
0xe: {  	[smem:$0x3FA3] =	sst s6  }
0xf: {  	[smem:$0x3FA4] =	sst s7  }
0x10: {  	[smem:$0x3FA5] =	sst s8  }
0x11: {  	[smem:$0x3FA6] =	sst s9;
	s0 =	simm.s32 @!p0 $0x0  }
0x12: {  	s1 =	sld [smem:$0x3F8C];
	s0 =	simm.s32 @p0 $0x1  }
0x13: {  	[smem:$0x3FA7] =	sst s0;
	s0 =	simm.s32 @!p1 $0x0  }
0x14: {  	s2 =	sld [smem:$0x3F8B];
	s0 =	simm.s32 @p1 $0x1  }
0x15: {  	[smem:$0x3FA8] =	sst s0;
	s0 =	simm.s32 @!p2 $0x0  }
0x16: {  	s3 =	sld [smem:$0x3FDB];
	s0 =	simm.s32 @p2 $0x1  }
0x17: {  	s4 =	simm.s32 $0x1BF5;
	[smem:$0x3FAA] =	sst s0  }
0x18: {  	s0 =	sld [smem:$0x3F8D];
	_ =	swait.ge [sflag:s4], $0x0  }
0x19: {  	s7 =	sld [smem:$0x3F8E]  }
0x1a: {  	s8 =	sadd.s32 $0xFFFFE003, lr  }
0x1b: {  	s9 =	sadd.s32 $0xFFFFFEF7, lr;
	s5 =	simm.s32 $0xFFFFFFFF;
	p2 =	slt.u32 s8, $0xFFFFF086  }
0x1c: {  	p1 =	slt.u32 s9, $0xF7A;
	s5 =	simm.s32 @!p2 $0x0  }
0x1d: {  	s5 =	simm.s32 @p1 $0x1;
	p0 =	seq.s32 s7, s2  }
0x1e: {  	s7 =	smul.u32 @!p0 $0xF7A, s2;
	p2 =	seq.s32 @!p0 s5, $0x0  }
0x1f: {  	s9 =	smul.u32 $0xF7A, s1;
	s8 =	simm.s32 @!p0 $0x1BF5;
	p2 =	por !p2, p0  }
0x20: {  	[sflag:s8] =	ssyncset.s32 @!p0 $0xFFFFF086;
	s6 =	sadd.s32 @!p0 s3, s7;
	s7 =	simm.s32 @!p0 $0x108  }
0x21: {  	s3 =	sadd.s32 s3, s9;
	s6 =	sadd.s32 @!p0 $0x88, s6;
	s7 =	simm.s32 @p2 $0x1082  }
0x22: {  	[simem:s7], [sflag:s8] =	dma.local @!p0 [hbm:s6], $0xF7A  }
0x23: {  	s9 =	sor.u32 $0xD0000000, s2;
	s6 =	simm.s32 $0x108;
	_ =	swait.ge @!p0 [sflag:s8], $0x0  }
0x24: {  	s3 =	sadd.s32 $0x88, s3;
	s6 =	simm.s32 @!p1 $0x1082;
	[sflag:s4] =	ssyncset.s32 $0xFFFFF086  }
0x25: {  	[simem:s6], [sflag:s4] =	dma.local [hbm:s3], $0xF7A  }
0x26: {  	[smem:$0x3F8E] =	sst s1;
	(tag) =	ssettag s2;
	_ =	strace s9  }
0x27: {  	s1 =	sld [smem:$0x3F9E]  }
0x28: {  	s2 =	sld [smem:$0x3F9F]  }
0x29: {  	s4 =	sld [smem:$0x3FA1]  }
0x2a: {  	p0 =	seq.s32 s5, $0x0;
	s5 =	sld [smem:$0x3FA2]  }
0x2b: {  	s6 =	sld [smem:$0x3FA3]  }
0x2c: {  	s7 =	sld [smem:$0x3FA4]  }
0x2d: {  	s3 =	simm.s32 $0x108;
	s8 =	sld [smem:$0x3FA5]  }
0x2e: {  	s3 =	simm.s32 @!p0 $0x1082;
	s9 =	sld [smem:$0x3FA6]  }
0x2f: {  	lr =	sadd.s32 s0, s3;
	s0 =	sld [smem:$0x3F9D]  }
0x30: {  	s3 =	sld [smem:$0x3FA0]  }
0x31: {  	[smem:$0x3FA9] =	sst s10  }
0x32: {  	s10 =	sld [smem:$0x3FA7];
	_ =	sdelay $0x3  }
0x33: {  	p0 =	seq.s32 s10, $0x1;
	s10 =	sld [smem:$0x3FA9];
	_ =	sdelay $0x3  }
0x34: {  	[smem:$0x3FA9] =	sst s10  }
0x35: {  	s10 =	sld [smem:$0x3FA8];
	_ =	sdelay $0x3  }
0x36: {  	p1 =	seq.s32 s10, $0x1;
	s10 =	sld [smem:$0x3FA9];
	_ =	sdelay $0x3  }
0x37: {  	[smem:$0x3FA9] =	sst s10  }
0x38: {  	s10 =	sld [smem:$0x3FAA]  }
0x39: {  	_ = 	snop;
	(pc) =	sbr.ind lr, $3  }
0x3a: {  	_ = 	snop  }
0x3b: {  	_ = 	snop  }
0x3c: {  	p2 =	seq.s32 s10, $0x1;
	s10 =	sld [smem:$0x3FA9]  }
0x3d: {  	_ =	shalt  }
0x3e: {  	_ =	shalt  }
0x3f: {  	_ =	shalt  }
0x40: {  	_ =	shalt  }
0x41: {  	_ =	shalt  }
0x42: {  	_ =	shalt  }
0x43: {  	_ =	shalt  }
0x44: {  	_ =	shalt  }
0x45: {  	_ =	shalt  }
0x46: {  	_ =	shalt  }
0x47: {  	_ =	shalt  }
0x48: {  	_ =	shalt  }
0x49: {  	_ =	shalt  }
0x4a: {  	_ =	shalt  }
0x4b: {  	_ =	shalt  }
0x4c: {  	_ =	shalt  }
0x4d: {  	_ =	shalt  }
0x4e: {  	_ =	shalt  }
0x4f: {  	_ =	shalt  }
0x50: {  	_ =	shalt  }
0x51: {  	_ =	shalt  }
0x52: {  	_ =	shalt  }
0x53: {  	_ =	shalt  }
0x54: {  	_ =	shalt  }
0x55: {  	_ =	shalt  }
0x56: {  	_ =	shalt  }
0x57: {  	_ =	shalt  }
0x58: {  	_ =	shalt  }
0x59: {  	_ =	shalt  }
0x5a: {  	_ =	shalt  }
0x5b: {  	_ =	shalt  }
0x5c: {  	_ =	shalt  }
0x5d: {  	_ =	shalt  }
0x5e: {  	_ =	shalt  }
0x5f: {  	_ =	shalt  }
0x60: {  	_ =	shalt  }
0x61: {  	_ =	shalt  }
0x62: {  	_ =	shalt  }
0x63: {  	_ =	shalt  }
0x64: {  	_ =	shalt  }
0x65: {  	_ =	shalt  }
0x66: {  	_ =	shalt  }
0x67: {  	_ =	shalt  }
0x68: {  	_ =	shalt  }
0x69: {  	_ =	shalt  }
0x6a: {  	_ =	shalt  }
0x6b: {  	_ =	shalt  }
0x6c: {  	_ =	shalt  }
0x6d: {  	_ =	shalt  }
0x6e: {  	_ =	shalt  }
0x6f: {  	_ =	shalt  }
0x70: {  	_ =	shalt  }
0x71: {  	_ =	shalt  }
0x72: {  	_ =	shalt  }
0x73: {  	_ =	shalt  }
0x74: {  	_ =	shalt  }
0x75: {  	_ =	shalt  }
0x76: {  	_ =	shalt  }
0x77: {  	_ =	shalt  }
0x78: {  	_ =	shalt  }
0x79: {  	_ =	shalt  }
0x7a: {  	_ =	shalt  }
0x7b: {  	_ =	shalt  }
0x7c: {  	_ =	shalt  }
0x7d: {  	_ =	shalt  }
0x7e: {  	_ =	shalt  }
0x7f: {  	_ =	shalt  }
0x80: {  	_ =	shalt  }
0x81: {  	_ =	shalt  }
0x82: {  	_ =	shalt  }
0x83: {  	_ =	shalt  }
0x84: {  	_ =	shalt  }
0x85: {  	_ =	shalt  }
0x86: {  	_ =	shalt  }
0x87: {  	_ =	shalt  }
.Lfunc_end0:
.L_simem_size_0:
called_computation.1_lowered:
.L_overlay_start_0:
0x88: {  	s2 =	sld [smem:$0x3FD9]  }
0x89: {  	s3 =	sld [smem:$0x3FFE];
	_ =	sdelay $0x1  }
0x8a: {  	s1 =	srdreg.scid  }
0x8b: {  	s0 =	sand.u32 $0x1, s1  }
0x8c: {  	s16 =	sshll.u32 s0, $0xA;
	s2 =	sadd.s32 s3, s2  }
0x8d: {  	s2 =	sadd.s32 s2, s16  }
0x8e: {  	[smem:$0x3FB5] =	sst s2  }
0x8f: {  	_ = 	snop  }
0x90: {  	(tm) =	ssettm $0x1  }
0x91: {  	s17 =	sld [smem:$0x3FFB];
	_ =	sdelay $0x3  }
0x92: {  	_ =	strace s17  }
0x93: {  	s2 =	sld [smem:$0x3FFC];
	_ =	sdelay $0x3  }
0x94: {  	_ =	strace s2  }
0x95: {  	s2 =	sld [smem:$0x3FFD];
	_ =	sdelay $0x3  }
0x96: {  	_ =	strace s2  }
0x97: {  	_ =	strace $0x8FFFFFFF  }
0x98: {  	s18 =	sld [smem:$0x3FDB];
	_ =	sdelay $0x1  }
0x99: {  	s19 =	simm.s32 $_scs_section_size  }
0x9a: {  	s4 =	simm.s32 $_size__tile_overlayer_lowered;
	s5 =	simm.s32 $_tile_overlayer_lowered  }
0x9b: {  	s22 =	simm.s32 $0x1BFF;
	s21 =	sshll.u32 s5, $0x1;
	s2 =	sadd.s32 s19, s18  }
0x9c: {  	s6 =	simm.s32 $0x0;
	s20 =	sshll.u32 s4, $0x1;
	s4 =	sadd.s32 s21, s2  }
0x9d: {  	[timem:s6], [sflag:s22] =	dma.local [hbm:s4], s20  }
0x9e: {  	_ =	swait.ge [sflag:s22], s20  }
0x9f: {  	s3 =	ssub.s32 $0x0, s20;
	[sflag:s22] =	ssyncset.done $0x0  }
0xa0: {  	[sflag:s22] =	ssyncadd.s32 s3;
	_ =	sdelay $0x1  }
0xa1: {  	s23 =	simm.s32 $0x1B8B  }
0xa2: {  	_ =	swait.ge [sflag:s23], $0x1  }
0xa3: {  	[sflag:s23] =	ssyncset.done $0x0  }
0xa4: {  	s25 =	simm.s32 $0x1B8E;
	s24 =	sld [smem:$0x3FFE];
	[sflag:s23] =	ssyncadd.s32 $0xFFFFFFFF  }
0xa5: {  	s26 =	simm.s32 $execute0_lowered;
	[smem:$0x3FD2] =	sst s25  }
0xa6: {  	s4 =	sshll.u32 s26, $0x1;
	_ =	strace $0x80000049;
	[dreg:$0x1] =	wrdreg $0xFFFFFFFF  }
0xa7: {  	s28 =	simm.s32 $_size_execute0_lowered;
	s2 =	sadd.s32 s2, s4;
	[dreg:$0x0] =	wrdreg $0x0  }
0xa8: {  	s4 =	sshll.u32 s28, $0x1;
	[dreg:$0x2] =	wrdreg s2  }
0xa9: {  	[dreg:$0x3] =	wrdreg s4  }
0xaa: {  	[dreg:$0x4] =	wrdreg $0xC0  }
0xab: {  	_ =	task [dreg:s6], $0x5FFFF  }
0xac: {  	[dreg:$0x1] =	wrdreg $0xFFFFFFFF  }
0xad: {  	[dreg:$0x0] =	wrdreg $0x60  }
0xae: {  	[dreg:$0x2] =	wrdreg s24  }
0xaf: {  	[dreg:$0x3] =	wrdreg $0x9  }
0xb0: {  	_ =	task.clear_ibuf [dreg:s6], $0x4FFFF;
	_ =	strace $0x90000049  }
0xb1: {  	s29 =	simm.s32 $0x9;
	_ =	strace $0x8000004B  }
0xb2: {  	_ =	swait.ge [sflag:s29], $0x1  }
0xb3: {  	[sflag:s29] =	ssyncadd.s32 $0xFFFFFFFF  }
0xb4: {  	_ =	strace $0x9000004B  }
0xb5: {  	_ =	sfence  }
0xb6: {  	s30 =	sld [smem:$0x0];
	_ =	sdelay $0x2  }
0xb7: {  	s31 =	sshll.u32 s1, $0xD;
	s1 =	sshrl.u32 s1, $0x2  }
0xb8: {  	s3 =	sand.u32 $0x4000, s31;
	s1 =	sadd.s32 s1, s30  }
0xb9: {  	s0 =	sor.u32 s3, s0;
	s1 =	sshll.u32 s1, $0x11  }
0xba: {  	s0 =	sor.u32 s1, s0  }
0xbb: {  	s0 =	sadd.s32 $0x8F2B, s0  }
0xbc: {  	[sflag:s0] =	ssyncadd.remote.s32 $0x1  }
0xbd: {  	_ =	sfence.sel $0xFFFF  }
0xbe: {  	[dreg:$0x0] =	wrdreg $0xFFFFFFFF;
	(pc) =	sbr.abs _section_cstart, $3  }
0xbf: {  	[dreg:$0x1] =	wrdreg $0xFFFFFFFF  }
0xc0: {  	_ =	task.clear_ibuf [dreg:s6], $0x2FFFF;
	_ =	strace $0x9FFFFFFF  }
0xc1: {  	(tm) =	ssettm $0x7FFFFFFF  }
tec
execute0_lowered:
.L_overlay_start_1:
0x0: {  	(tag) =	ssettag $0x1  }
0x1: {  	s0 =	srdreg.scid  }
0x2: {  	s2 =	stileid.u32;
	s1 =	rddreg [dreg:$0x0]  }
0x3: {  	s8 =	simm.s32 $0x1;
	s10 =	simm.s32 $0x880;
	s11 =	simm.s32 $0x1080  }
0x4: {  	s12 =	simm.s32 $0x1880;
	s13 =	simm.s32 $0x2080;
	s14 =	simm.s32 $0x2880  }
0x5: {  	s15 =	simm.s32 $0x3080;
	s16 =	simm.s32 $0x3880;
	s17 =	simm.s32 $0x4080  }
0x6: {  	s18 =	simm.s32 $0x4880;
	s19 =	simm.s32 $0x5080;
	s20 =	simm.s32 $0x5880  }
0x7: {  	s21 =	simm.s32 $0x6080;
	s22 =	simm.s32 $0x6880;
	s23 =	simm.s32 $0x7080  }
0x8: {  	s24 =	simm.s32 $0x7880;
	s28 =	simm.s32 $0x9080;
	s29 =	simm.s32 $0x9880  }
0x9: {  	s30 =	simm.s32 $0xA080;
	s31 =	simm.s32 $0xA880;
	s0 =	sand.u32 $0x1, s0  }
0xa: {  	s3 =	sshll.u32 s2, $0x5;
	s2 =	simm.s32 $0x0;
	s4 =	sshll.u32 s0, $0x4  }
0xb: {  	[smem:$0x7FF] =	sst s2;
	s0 =	ssub.s32 $0x2, s0;
	s3 =	sor.u32 s4, s3  }
0xc: {  	_ =	strace $0x8000004A;
	s7 =	sshrl.u32 s0, $0x1;
	s5 =	sadd.s32 s3, s1  }
0xd: {  	s4 =	smul.u32 $0x300, s3;
	s3 =	sadd.s32 $0xC2000, s1;
	s6 =	sadd.s32 $0x1C00, s5  }
0xe: {  	s0 =	ssub.s32 s0, s7;
	s5 =	sadd.s32 $0x1E00, s5;
	[dreg:$0x2] =	wrdreg s6  }
0xf: {  	s7 =	simm.s32 $0x2;
	s4 =	sadd.s32 s4, s1;
	[dreg:$0x4] =	wrdreg s5  }
0x10: {  	v2 =	vlaneseq.u32;
	s5 =	sadd.s32 $0xC2200, s1;
	s6 =	smax.u32 s0, $0x1;
	s25 =	sadd.s32 $0x2000, s4  }
0x11: {  	vm0 =	vmmov $0xffff;
	v1 =	vshrl.u32 v2, $0x3;
	s26 =	sadd.s32 $0x62000, s4;
	s4 =	sadd.s32 $0xC2100, s1;
	[dreg:$0x3] =	wrdreg s25  }
0x12: {  	v0 =	vand.u32 $0x7, v2;
	v2 =	vor.u32 $0x8, v2;
	v1 =	vmul.u32 $0x8, v1;
	[dreg:$0x5] =	wrdreg s26;
	s25 =	simm.s32 $0x8080;
	s26 =	simm.s32 $0x8880  }
.LBB2_1:
0x13: {  	s9 =	rddreg [dreg:$0x2]  }
0x14: {  	[tilespmem:s2], [sflag:$0x2] =	stream.linear.gather [hbm4b:s9+s2], $0x80, $0x38;
	[tilespmem:$0x18080] =	vst v63  }
0x15: {  	_ =	swait.ge [sflag:s7], $0x80  }
0x16: {  	[sflag:s7] =	ssyncset.done $0x0  }
0x17: {  	[sflag:s7] =	ssyncadd.s32 $0xFFFFFF80  }
0x18: {  	v3 =	vld [tilespmem:$0x0];
	_ =	sdelay $0x4  }
0x19: {  	v4 =	vshrl.u32 v3, $0x3  }
0x1a: {  	v4 =	vmul.u32 $0x30, v4  }
0x1b: {  	v3 =	vand.u32 $0x7, v3  }
0x1c: {  	v3 =	vor.u32 v3, v4  }
0x1d: {  	v4 =	vperm.xlane v3, v0;
	_ =	sdelay $0x1  }
0x1e: {  	v4 =	vadd.s32 v1, v4;
	_ =	sdelay $0x3  }
0x1f: {  	s1 =	simm.s32 $0x80;
	v3 =	vperm.xlane v3, v2  }
0x20: {  	[tilespmem:s1], [sflag:$0x1] =	stream.indirect_vreg.gather [hbm4b:s3+s2], $0x80, v4, vm0, $0xb8;
	[tilespmem:$0x18080] =	vst v63  }
0x21: {  	v3 =	vadd.s32 v1, v3  }
0x22: {  	[tilespmem:s10], [sflag:$0x1] =	stream.indirect_vreg.gather [hbm4b:s4+s2], $0x80, v4, vm0, $0xb8;
	[tilespmem:$0x18080] =	vst v63  }
0x23: {  	_ = 	snop  }
0x24: {  	[tilespmem:s11], [sflag:$0x1] =	stream.indirect_vreg.gather [hbm4b:s5+s2], $0x80, v4, vm0, $0xb8;
	[tilespmem:$0x18080] =	vst v63  }
0x25: {  	_ = 	snop  }
0x26: {  	[tilespmem:s12], [sflag:$0x1] =	stream.indirect_vreg.gather [hbm4b:s3+s2], $0x80, v3, vm0, $0xb8;
	[tilespmem:$0x18080] =	vst v63  }
0x27: {  	_ = 	snop  }
0x28: {  	[tilespmem:s13], [sflag:$0x1] =	stream.indirect_vreg.gather [hbm4b:s4+s2], $0x80, v3, vm0, $0xb8;
	[tilespmem:$0x18080] =	vst v63  }
0x29: {  	_ = 	snop  }
0x2a: {  	[tilespmem:s14], [sflag:$0x1] =	stream.indirect_vreg.gather [hbm4b:s5+s2], $0x80, v3, vm0, $0xb8;
	[tilespmem:$0x18080] =	vst v63  }
0x2b: {  	v3 =	vld [tilespmem:$0x10];
	_ =	sdelay $0x4  }
0x2c: {  	v49 =	vshrl.u32 v3, $0x3  }
0x2d: {  	v4 =	vmul.u32 $0x30, v49  }
0x2e: {  	v3 =	vand.u32 $0x7, v3  }
0x2f: {  	v3 =	vor.u32 v3, v4  }
0x30: {  	v4 =	vperm.xlane v3, v0;
	_ =	sdelay $0x1  }
0x31: {  	v4 =	vadd.s32 v1, v4;
	_ =	sdelay $0x3  }
0x32: {  	v3 =	vperm.xlane v3, v2  }
0x33: {  	[tilespmem:s15], [sflag:$0x1] =	stream.indirect_vreg.gather [hbm4b:s3+s2], $0x80, v4, vm0, $0xb8;
	[tilespmem:$0x18080] =	vst v63  }
0x34: {  	v3 =	vadd.s32 v1, v3  }
0x35: {  	[tilespmem:s16], [sflag:$0x1] =	stream.indirect_vreg.gather [hbm4b:s4+s2], $0x80, v4, vm0, $0xb8;
	[tilespmem:$0x18080] =	vst v63  }
0x36: {  	_ = 	snop  }
0x37: {  	[tilespmem:s17], [sflag:$0x1] =	stream.indirect_vreg.gather [hbm4b:s5+s2], $0x80, v4, vm0, $0xb8;
	[tilespmem:$0x18080] =	vst v63  }
0x38: {  	_ = 	snop  }
0x39: {  	[tilespmem:s18], [sflag:$0x1] =	stream.indirect_vreg.gather [hbm4b:s3+s2], $0x80, v3, vm0, $0xb8;
	[tilespmem:$0x18080] =	vst v63  }
0x3a: {  	_ = 	snop  }
0x3b: {  	[tilespmem:s19], [sflag:$0x1] =	stream.indirect_vreg.gather [hbm4b:s4+s2], $0x80, v3, vm0, $0xb8;
	[tilespmem:$0x18080] =	vst v63  }
0x3c: {  	_ = 	snop  }
0x3d: {  	[tilespmem:s20], [sflag:$0x1] =	stream.indirect_vreg.gather [hbm4b:s5+s2], $0x80, v3, vm0, $0xb8;
	[tilespmem:$0x18080] =	vst v63  }
0x3e: {  	v3 =	vld [tilespmem:$0x20];
	_ =	sdelay $0x4  }
0x3f: {  	v50 =	vshrl.u32 v3, $0x3  }
0x40: {  	v4 =	vmul.u32 $0x30, v50  }
0x41: {  	v3 =	vand.u32 $0x7, v3  }
0x42: {  	v3 =	vor.u32 v3, v4  }
0x43: {  	v4 =	vperm.xlane v3, v0;
	_ =	sdelay $0x1  }
0x44: {  	v4 =	vadd.s32 v1, v4;
	_ =	sdelay $0x3  }
0x45: {  	v3 =	vperm.xlane v3, v2  }
0x46: {  	[tilespmem:s21], [sflag:$0x1] =	stream.indirect_vreg.gather [hbm4b:s3+s2], $0x80, v4, vm0, $0xb8;
	[tilespmem:$0x18080] =	vst v63  }
0x47: {  	v3 =	vadd.s32 v1, v3  }
0x48: {  	[tilespmem:s22], [sflag:$0x1] =	stream.indirect_vreg.gather [hbm4b:s4+s2], $0x80, v4, vm0, $0xb8;
	[tilespmem:$0x18080] =	vst v63  }
0x49: {  	_ = 	snop  }
0x4a: {  	[tilespmem:s23], [sflag:$0x1] =	stream.indirect_vreg.gather [hbm4b:s5+s2], $0x80, v4, vm0, $0xb8;
	[tilespmem:$0x18080] =	vst v63  }
0x4b: {  	_ = 	snop  }
0x4c: {  	[tilespmem:s24], [sflag:$0x1] =	stream.indirect_vreg.gather [hbm4b:s3+s2], $0x80, v3, vm0, $0xb8;
	[tilespmem:$0x18080] =	vst v63  }
0x4d: {  	_ = 	snop  }
0x4e: {  	[tilespmem:s25], [sflag:$0x1] =	stream.indirect_vreg.gather [hbm4b:s4+s2], $0x80, v3, vm0, $0xb8;
	[tilespmem:$0x18080] =	vst v63  }
0x4f: {  	_ = 	snop  }
0x50: {  	[tilespmem:s26], [sflag:$0x1] =	stream.indirect_vreg.gather [hbm4b:s5+s2], $0x80, v3, vm0, $0xb8;
	[tilespmem:$0x18080] =	vst v63  }
0x51: {  	v3 =	vld [tilespmem:$0x30];
	_ =	sdelay $0x4  }
0x52: {  	v51 =	vshrl.u32 v3, $0x3  }
0x53: {  	v4 =	vmul.u32 $0x30, v51  }
0x54: {  	v3 =	vand.u32 $0x7, v3  }
0x55: {  	v3 =	vor.u32 v3, v4  }
0x56: {  	v4 =	vperm.xlane v3, v0;
	_ =	sdelay $0x1  }
0x57: {  	v4 =	vadd.s32 v1, v4;
	_ =	sdelay $0x3  }
0x58: {  	v3 =	vperm.xlane v3, v2  }
0x59: {  	[tilespmem:s28], [sflag:$0x1] =	stream.indirect_vreg.gather [hbm4b:s3+s2], $0x80, v4, vm0, $0xb8;
	[tilespmem:$0x18080] =	vst v63  }
0x5a: {  	v3 =	vadd.s32 v1, v3  }
0x5b: {  	[tilespmem:s29], [sflag:$0x1] =	stream.indirect_vreg.gather [hbm4b:s4+s2], $0x80, v4, vm0, $0xb8;
	[tilespmem:$0x18080] =	vst v63  }
0x5c: {  	_ = 	snop  }
0x5d: {  	[tilespmem:s30], [sflag:$0x1] =	stream.indirect_vreg.gather [hbm4b:s5+s2], $0x80, v4, vm0, $0xb8;
	[tilespmem:$0x18080] =	vst v63  }
0x5e: {  	_ = 	snop  }
0x5f: {  	[tilespmem:s31], [sflag:$0x1] =	stream.indirect_vreg.gather [hbm4b:s3+s2], $0x80, v3, vm0, $0xb8;
	[tilespmem:$0x18080] =	vst v63  }
0x60: {  	s1 =	simm.s32 $0xB080  }
0x61: {  	[tilespmem:s1], [sflag:$0x1] =	stream.indirect_vreg.gather [hbm4b:s4+s2], $0x80, v3, vm0, $0xb8;
	[tilespmem:$0x18080] =	vst v63  }
0x62: {  	s0 =	simm.s32 $0xB880  }
0x63: {  	[tilespmem:s0], [sflag:$0x1] =	stream.indirect_vreg.gather [hbm4b:s5+s2], $0x80, v3, vm0, $0xb8;
	[tilespmem:$0x18080] =	vst v63  }
0x64: {  	v3 =	vld [tilespmem:$0x40];
	_ =	sdelay $0x4  }
0x65: {  	v52 =	vshrl.u32 v3, $0x3  }
0x66: {  	v4 =	vmul.u32 $0x30, v52  }
0x67: {  	v3 =	vand.u32 $0x7, v3  }
0x68: {  	v3 =	vor.u32 v3, v4  }
0x69: {  	v4 =	vperm.xlane v3, v0;
	_ =	sdelay $0x1  }
0x6a: {  	v4 =	vadd.s32 v1, v4;
	_ =	sdelay $0x3  }
0x6b: {  	s9 =	simm.s32 $0xC080;
	v3 =	vperm.xlane v3, v2  }
0x6c: {  	[tilespmem:s9], [sflag:$0x1] =	stream.indirect_vreg.gather [hbm4b:s3+s2], $0x80, v4, vm0, $0xb8;
	[tilespmem:$0x18080] =	vst v63  }
0x6d: {  	v3 =	vadd.s32 v1, v3;
	s9 =	simm.s32 $0xC880  }
0x6e: {  	[tilespmem:s9], [sflag:$0x1] =	stream.indirect_vreg.gather [hbm4b:s4+s2], $0x80, v4, vm0, $0xb8;
	[tilespmem:$0x18080] =	vst v63  }
0x6f: {  	s9 =	simm.s32 $0xD080  }
0x70: {  	[tilespmem:s9], [sflag:$0x1] =	stream.indirect_vreg.gather [hbm4b:s5+s2], $0x80, v4, vm0, $0xb8;
	[tilespmem:$0x18080] =	vst v63  }
0x71: {  	s9 =	simm.s32 $0xD880  }
0x72: {  	[tilespmem:s9], [sflag:$0x1] =	stream.indirect_vreg.gather [hbm4b:s3+s2], $0x80, v3, vm0, $0xb8;
	[tilespmem:$0x18080] =	vst v63  }
0x73: {  	s9 =	simm.s32 $0xE080  }
0x74: {  	[tilespmem:s9], [sflag:$0x1] =	stream.indirect_vreg.gather [hbm4b:s4+s2], $0x80, v3, vm0, $0xb8;
	[tilespmem:$0x18080] =	vst v63  }
0x75: {  	s9 =	simm.s32 $0xE880  }
0x76: {  	[tilespmem:s9], [sflag:$0x1] =	stream.indirect_vreg.gather [hbm4b:s5+s2], $0x80, v3, vm0, $0xb8;
	[tilespmem:$0x18080] =	vst v63  }
0x77: {  	v3 =	vld [tilespmem:$0x50];
	_ =	sdelay $0x4  }
0x78: {  	v53 =	vshrl.u32 v3, $0x3  }
0x79: {  	v4 =	vmul.u32 $0x30, v53  }
0x7a: {  	v3 =	vand.u32 $0x7, v3  }
0x7b: {  	v3 =	vor.u32 v3, v4  }
0x7c: {  	v4 =	vperm.xlane v3, v0;
	_ =	sdelay $0x1  }
0x7d: {  	v4 =	vadd.s32 v1, v4;
	_ =	sdelay $0x3  }
0x7e: {  	s9 =	simm.s32 $0xF080;
	v3 =	vperm.xlane v3, v2  }
0x7f: {  	[tilespmem:s9], [sflag:$0x1] =	stream.indirect_vreg.gather [hbm4b:s3+s2], $0x80, v4, vm0, $0xb8;
	[tilespmem:$0x18080] =	vst v63  }
0x80: {  	v3 =	vadd.s32 v1, v3;
	s9 =	simm.s32 $0xF880  }
0x81: {  	[tilespmem:s9], [sflag:$0x1] =	stream.indirect_vreg.gather [hbm4b:s4+s2], $0x80, v4, vm0, $0xb8;
	[tilespmem:$0x18080] =	vst v63  }
0x82: {  	s9 =	simm.s32 $0x10080  }
0x83: {  	[tilespmem:s9], [sflag:$0x1] =	stream.indirect_vreg.gather [hbm4b:s5+s2], $0x80, v4, vm0, $0xb8;
	[tilespmem:$0x18080] =	vst v63  }
0x84: {  	s9 =	simm.s32 $0x10880  }
0x85: {  	[tilespmem:s9], [sflag:$0x1] =	stream.indirect_vreg.gather [hbm4b:s3+s2], $0x80, v3, vm0, $0xb8;
	[tilespmem:$0x18080] =	vst v63  }
0x86: {  	s9 =	simm.s32 $0x11080  }
0x87: {  	[tilespmem:s9], [sflag:$0x1] =	stream.indirect_vreg.gather [hbm4b:s4+s2], $0x80, v3, vm0, $0xb8;
	[tilespmem:$0x18080] =	vst v63  }
0x88: {  	s9 =	simm.s32 $0x11880  }
0x89: {  	[tilespmem:s9], [sflag:$0x1] =	stream.indirect_vreg.gather [hbm4b:s5+s2], $0x80, v3, vm0, $0xb8;
	[tilespmem:$0x18080] =	vst v63  }
0x8a: {  	v3 =	vld [tilespmem:$0x60];
	_ =	sdelay $0x4  }
0x8b: {  	v54 =	vshrl.u32 v3, $0x3  }
0x8c: {  	v4 =	vmul.u32 $0x30, v54  }
0x8d: {  	v3 =	vand.u32 $0x7, v3  }
0x8e: {  	v3 =	vor.u32 v3, v4  }
0x8f: {  	v4 =	vperm.xlane v3, v0;
	_ =	sdelay $0x1  }
0x90: {  	v4 =	vadd.s32 v1, v4;
	_ =	sdelay $0x3  }
0x91: {  	s9 =	simm.s32 $0x12080;
	v3 =	vperm.xlane v3, v2  }
0x92: {  	[tilespmem:s9], [sflag:$0x1] =	stream.indirect_vreg.gather [hbm4b:s3+s2], $0x80, v4, vm0, $0xb8;
	[tilespmem:$0x18080] =	vst v63  }
0x93: {  	v3 =	vadd.s32 v1, v3;
	s9 =	simm.s32 $0x12880  }
0x94: {  	[tilespmem:s9], [sflag:$0x1] =	stream.indirect_vreg.gather [hbm4b:s4+s2], $0x80, v4, vm0, $0xb8;
	[tilespmem:$0x18080] =	vst v63  }
0x95: {  	s9 =	simm.s32 $0x13080  }
0x96: {  	[tilespmem:s9], [sflag:$0x1] =	stream.indirect_vreg.gather [hbm4b:s5+s2], $0x80, v4, vm0, $0xb8;
	[tilespmem:$0x18080] =	vst v63  }
0x97: {  	s9 =	simm.s32 $0x13880  }
0x98: {  	[tilespmem:s9], [sflag:$0x1] =	stream.indirect_vreg.gather [hbm4b:s3+s2], $0x80, v3, vm0, $0xb8;
	[tilespmem:$0x18080] =	vst v63  }
0x99: {  	s9 =	simm.s32 $0x14080  }
0x9a: {  	[tilespmem:s9], [sflag:$0x1] =	stream.indirect_vreg.gather [hbm4b:s4+s2], $0x80, v3, vm0, $0xb8;
	[tilespmem:$0x18080] =	vst v63  }
0x9b: {  	s9 =	simm.s32 $0x14880  }
0x9c: {  	[tilespmem:s9], [sflag:$0x1] =	stream.indirect_vreg.gather [hbm4b:s5+s2], $0x80, v3, vm0, $0xb8;
	[tilespmem:$0x18080] =	vst v63  }
0x9d: {  	v3 =	vld [tilespmem:$0x70];
	_ =	sdelay $0x4  }
0x9e: {  	v55 =	vshrl.u32 v3, $0x3  }
0x9f: {  	v4 =	vmul.u32 $0x30, v55  }
0xa0: {  	v3 =	vand.u32 $0x7, v3  }
0xa1: {  	v3 =	vor.u32 v3, v4  }
0xa2: {  	v4 =	vperm.xlane v3, v0;
	_ =	sdelay $0x1  }
0xa3: {  	v4 =	vadd.s32 v1, v4;
	_ =	sdelay $0x3  }
0xa4: {  	s9 =	simm.s32 $0x15080;
	v3 =	vperm.xlane v3, v2  }
0xa5: {  	[tilespmem:s9], [sflag:$0x1] =	stream.indirect_vreg.gather [hbm4b:s3+s2], $0x80, v4, vm0, $0xb8;
	[tilespmem:$0x18080] =	vst v63  }
0xa6: {  	v3 =	vadd.s32 v1, v3;
	s9 =	simm.s32 $0x15880  }
0xa7: {  	[tilespmem:s9], [sflag:$0x1] =	stream.indirect_vreg.gather [hbm4b:s4+s2], $0x80, v4, vm0, $0xb8;
	[tilespmem:$0x18080] =	vst v63  }
0xa8: {  	s9 =	simm.s32 $0x16080  }
0xa9: {  	[tilespmem:s9], [sflag:$0x1] =	stream.indirect_vreg.gather [hbm4b:s5+s2], $0x80, v4, vm0, $0xb8;
	[tilespmem:$0x18080] =	vst v63  }
0xaa: {  	s9 =	simm.s32 $0x16880  }
0xab: {  	[tilespmem:s9], [sflag:$0x1] =	stream.indirect_vreg.gather [hbm4b:s3+s2], $0x80, v3, vm0, $0xb8;
	[tilespmem:$0x18080] =	vst v63  }
0xac: {  	s9 =	simm.s32 $0x17080  }
0xad: {  	[tilespmem:s9], [sflag:$0x1] =	stream.indirect_vreg.gather [hbm4b:s4+s2], $0x80, v3, vm0, $0xb8;
	[tilespmem:$0x18080] =	vst v63  }
0xae: {  	s9 =	simm.s32 $0x17880  }
0xaf: {  	[tilespmem:s9], [sflag:$0x1] =	stream.indirect_vreg.gather [hbm4b:s5+s2], $0x80, v3, vm0, $0xb8;
	[tilespmem:$0x18080] =	vst v63  }
0xb0: {  	_ =	swait.ge [sflag:s8], $0x18000  }
0xb1: {  	[sflag:s8] =	ssyncset.done $0x0  }
0xb2: {  	s0 =	simm.s32 $0x80;
	s9 =	rddreg [dreg:$0x3];
	[sflag:s8] =	ssyncadd.s32 $0xFFFE8000  }
0xb3: {  	[hbm4b:s9+s2] =	stream.linear.scatter [tilespmem:s0], [sflag:$0x2], $0x18000, $0x38;
	[tilespmem:$0x18080] =	vst v63  }
0xb4: {  	_ =	swait.ge [sflag:s7], $0x18000  }
0xb5: {  	[sflag:s7] =	ssyncset.done $0x0  }
0xb6: {  	s9 =	rddreg [dreg:$0x4];
	[sflag:s7] =	ssyncadd.s32 $0xFFFE8000  }
0xb7: {  	[tilespmem:s2], [sflag:$0x2] =	stream.linear.gather [hbm4b:s9+s2], $0x80, $0x38;
	[tilespmem:$0x18080] =	vst v63  }
0xb8: {  	_ =	swait.ge [sflag:s7], $0x80  }
0xb9: {  	[sflag:s7] =	ssyncset.done $0x0  }
0xba: {  	[sflag:s7] =	ssyncadd.s32 $0xFFFFFF80  }
0xbb: {  	v3 =	vld [tilespmem:$0x0];
	_ =	sdelay $0x4  }
0xbc: {  	v56 =	vshrl.u32 v3, $0x3  }
0xbd: {  	v4 =	vmul.u32 $0x30, v56  }
0xbe: {  	v3 =	vand.u32 $0x7, v3  }
0xbf: {  	v3 =	vor.u32 v3, v4  }
0xc0: {  	v4 =	vperm.xlane v3, v0;
	_ =	sdelay $0x1  }
0xc1: {  	v4 =	vadd.s32 v1, v4;
	_ =	sdelay $0x3  }
0xc2: {  	v3 =	vperm.xlane v3, v2  }
0xc3: {  	[tilespmem:s0], [sflag:$0x1] =	stream.indirect_vreg.gather [hbm4b:s3+s2], $0x80, v4, vm0, $0xb8;
	[tilespmem:$0x18080] =	vst v63  }
0xc4: {  	v3 =	vadd.s32 v1, v3  }
0xc5: {  	[tilespmem:s10], [sflag:$0x1] =	stream.indirect_vreg.gather [hbm4b:s4+s2], $0x80, v4, vm0, $0xb8;
	[tilespmem:$0x18080] =	vst v63  }
0xc6: {  	_ = 	snop  }
0xc7: {  	[tilespmem:s11], [sflag:$0x1] =	stream.indirect_vreg.gather [hbm4b:s5+s2], $0x80, v4, vm0, $0xb8;
	[tilespmem:$0x18080] =	vst v63  }
0xc8: {  	_ = 	snop  }
0xc9: {  	[tilespmem:s12], [sflag:$0x1] =	stream.indirect_vreg.gather [hbm4b:s3+s2], $0x80, v3, vm0, $0xb8;
	[tilespmem:$0x18080] =	vst v63  }
0xca: {  	_ = 	snop  }
0xcb: {  	[tilespmem:s13], [sflag:$0x1] =	stream.indirect_vreg.gather [hbm4b:s4+s2], $0x80, v3, vm0, $0xb8;
	[tilespmem:$0x18080] =	vst v63  }
0xcc: {  	_ = 	snop  }
0xcd: {  	[tilespmem:s14], [sflag:$0x1] =	stream.indirect_vreg.gather [hbm4b:s5+s2], $0x80, v3, vm0, $0xb8;
	[tilespmem:$0x18080] =	vst v63  }
0xce: {  	v3 =	vld [tilespmem:$0x10];
	_ =	sdelay $0x4  }
0xcf: {  	v57 =	vshrl.u32 v3, $0x3  }
0xd0: {  	v4 =	vmul.u32 $0x30, v57  }
0xd1: {  	v3 =	vand.u32 $0x7, v3  }
0xd2: {  	v3 =	vor.u32 v3, v4  }
0xd3: {  	v4 =	vperm.xlane v3, v0;
	_ =	sdelay $0x1  }
0xd4: {  	v4 =	vadd.s32 v1, v4;
	_ =	sdelay $0x3  }
0xd5: {  	v3 =	vperm.xlane v3, v2  }
0xd6: {  	[tilespmem:s15], [sflag:$0x1] =	stream.indirect_vreg.gather [hbm4b:s3+s2], $0x80, v4, vm0, $0xb8;
	[tilespmem:$0x18080] =	vst v63  }
0xd7: {  	v3 =	vadd.s32 v1, v3  }
0xd8: {  	[tilespmem:s16], [sflag:$0x1] =	stream.indirect_vreg.gather [hbm4b:s4+s2], $0x80, v4, vm0, $0xb8;
	[tilespmem:$0x18080] =	vst v63  }
0xd9: {  	_ = 	snop  }
0xda: {  	[tilespmem:s17], [sflag:$0x1] =	stream.indirect_vreg.gather [hbm4b:s5+s2], $0x80, v4, vm0, $0xb8;
	[tilespmem:$0x18080] =	vst v63  }
0xdb: {  	_ = 	snop  }
0xdc: {  	[tilespmem:s18], [sflag:$0x1] =	stream.indirect_vreg.gather [hbm4b:s3+s2], $0x80, v3, vm0, $0xb8;
	[tilespmem:$0x18080] =	vst v63  }
0xdd: {  	_ = 	snop  }
0xde: {  	[tilespmem:s19], [sflag:$0x1] =	stream.indirect_vreg.gather [hbm4b:s4+s2], $0x80, v3, vm0, $0xb8;
	[tilespmem:$0x18080] =	vst v63  }
0xdf: {  	_ = 	snop  }
0xe0: {  	[tilespmem:s20], [sflag:$0x1] =	stream.indirect_vreg.gather [hbm4b:s5+s2], $0x80, v3, vm0, $0xb8;
	[tilespmem:$0x18080] =	vst v63  }
0xe1: {  	v3 =	vld [tilespmem:$0x20];
	_ =	sdelay $0x4  }
0xe2: {  	v58 =	vshrl.u32 v3, $0x3  }
0xe3: {  	v4 =	vmul.u32 $0x30, v58  }
0xe4: {  	v3 =	vand.u32 $0x7, v3  }
0xe5: {  	v3 =	vor.u32 v3, v4  }
0xe6: {  	v4 =	vperm.xlane v3, v0;
	_ =	sdelay $0x1  }
0xe7: {  	v4 =	vadd.s32 v1, v4;
	_ =	sdelay $0x3  }
0xe8: {  	v3 =	vperm.xlane v3, v2  }
0xe9: {  	[tilespmem:s21], [sflag:$0x1] =	stream.indirect_vreg.gather [hbm4b:s3+s2], $0x80, v4, vm0, $0xb8;
	[tilespmem:$0x18080] =	vst v63  }
0xea: {  	v3 =	vadd.s32 v1, v3  }
0xeb: {  	[tilespmem:s22], [sflag:$0x1] =	stream.indirect_vreg.gather [hbm4b:s4+s2], $0x80, v4, vm0, $0xb8;
	[tilespmem:$0x18080] =	vst v63  }
0xec: {  	_ = 	snop  }
0xed: {  	[tilespmem:s23], [sflag:$0x1] =	stream.indirect_vreg.gather [hbm4b:s5+s2], $0x80, v4, vm0, $0xb8;
	[tilespmem:$0x18080] =	vst v63  }
0xee: {  	_ = 	snop  }
0xef: {  	[tilespmem:s24], [sflag:$0x1] =	stream.indirect_vreg.gather [hbm4b:s3+s2], $0x80, v3, vm0, $0xb8;
	[tilespmem:$0x18080] =	vst v63  }
0xf0: {  	_ = 	snop  }
0xf1: {  	[tilespmem:s25], [sflag:$0x1] =	stream.indirect_vreg.gather [hbm4b:s4+s2], $0x80, v3, vm0, $0xb8;
	[tilespmem:$0x18080] =	vst v63  }
0xf2: {  	_ = 	snop  }
0xf3: {  	[tilespmem:s26], [sflag:$0x1] =	stream.indirect_vreg.gather [hbm4b:s5+s2], $0x80, v3, vm0, $0xb8;
	[tilespmem:$0x18080] =	vst v63  }
0xf4: {  	v3 =	vld [tilespmem:$0x30];
	_ =	sdelay $0x4  }
0xf5: {  	v59 =	vshrl.u32 v3, $0x3  }
0xf6: {  	v4 =	vmul.u32 $0x30, v59  }
0xf7: {  	v3 =	vand.u32 $0x7, v3  }
0xf8: {  	v3 =	vor.u32 v3, v4  }
0xf9: {  	v4 =	vperm.xlane v3, v0;
	_ =	sdelay $0x1  }
0xfa: {  	v4 =	vadd.s32 v1, v4;
	_ =	sdelay $0x3  }
0xfb: {  	v3 =	vperm.xlane v3, v2  }
0xfc: {  	[tilespmem:s28], [sflag:$0x1] =	stream.indirect_vreg.gather [hbm4b:s3+s2], $0x80, v4, vm0, $0xb8;
	[tilespmem:$0x18080] =	vst v63  }
0xfd: {  	v3 =	vadd.s32 v1, v3  }
0xfe: {  	[tilespmem:s29], [sflag:$0x1] =	stream.indirect_vreg.gather [hbm4b:s4+s2], $0x80, v4, vm0, $0xb8;
	[tilespmem:$0x18080] =	vst v63  }
0xff: {  	_ = 	snop  }
0x100: {  	[tilespmem:s30], [sflag:$0x1] =	stream.indirect_vreg.gather [hbm4b:s5+s2], $0x80, v4, vm0, $0xb8;
	[tilespmem:$0x18080] =	vst v63  }
0x101: {  	_ = 	snop  }
0x102: {  	[tilespmem:s31], [sflag:$0x1] =	stream.indirect_vreg.gather [hbm4b:s3+s2], $0x80, v3, vm0, $0xb8;
	[tilespmem:$0x18080] =	vst v63  }
0x103: {  	_ = 	snop  }
0x104: {  	[tilespmem:s1], [sflag:$0x1] =	stream.indirect_vreg.gather [hbm4b:s4+s2], $0x80, v3, vm0, $0xb8;
	[tilespmem:$0x18080] =	vst v63  }
0x105: {  	s9 =	simm.s32 $0xB880  }
0x106: {  	[tilespmem:s9], [sflag:$0x1] =	stream.indirect_vreg.gather [hbm4b:s5+s2], $0x80, v3, vm0, $0xb8;
	[tilespmem:$0x18080] =	vst v63  }
0x107: {  	v3 =	vld [tilespmem:$0x40];
	_ =	sdelay $0x4  }
0x108: {  	v60 =	vshrl.u32 v3, $0x3  }
0x109: {  	v4 =	vmul.u32 $0x30, v60  }
0x10a: {  	v3 =	vand.u32 $0x7, v3  }
0x10b: {  	v3 =	vor.u32 v3, v4  }
0x10c: {  	v4 =	vperm.xlane v3, v0;
	_ =	sdelay $0x1  }
0x10d: {  	v4 =	vadd.s32 v1, v4;
	_ =	sdelay $0x3  }
0x10e: {  	s1 =	simm.s32 $0xC080;
	v3 =	vperm.xlane v3, v2  }
0x10f: {  	[tilespmem:s1], [sflag:$0x1] =	stream.indirect_vreg.gather [hbm4b:s3+s2], $0x80, v4, vm0, $0xb8;
	[tilespmem:$0x18080] =	vst v63  }
0x110: {  	s9 =	simm.s32 $0xC880;
	v3 =	vadd.s32 v1, v3  }
0x111: {  	[tilespmem:s9], [sflag:$0x1] =	stream.indirect_vreg.gather [hbm4b:s4+s2], $0x80, v4, vm0, $0xb8;
	[tilespmem:$0x18080] =	vst v63  }
0x112: {  	s1 =	simm.s32 $0xD080  }
0x113: {  	[tilespmem:s1], [sflag:$0x1] =	stream.indirect_vreg.gather [hbm4b:s5+s2], $0x80, v4, vm0, $0xb8;
	[tilespmem:$0x18080] =	vst v63  }
0x114: {  	s9 =	simm.s32 $0xD880  }
0x115: {  	[tilespmem:s9], [sflag:$0x1] =	stream.indirect_vreg.gather [hbm4b:s3+s2], $0x80, v3, vm0, $0xb8;
	[tilespmem:$0x18080] =	vst v63  }
0x116: {  	s1 =	simm.s32 $0xE080  }
0x117: {  	[tilespmem:s1], [sflag:$0x1] =	stream.indirect_vreg.gather [hbm4b:s4+s2], $0x80, v3, vm0, $0xb8;
	[tilespmem:$0x18080] =	vst v63  }
0x118: {  	s9 =	simm.s32 $0xE880  }
0x119: {  	[tilespmem:s9], [sflag:$0x1] =	stream.indirect_vreg.gather [hbm4b:s5+s2], $0x80, v3, vm0, $0xb8;
	[tilespmem:$0x18080] =	vst v63  }
0x11a: {  	v3 =	vld [tilespmem:$0x50];
	_ =	sdelay $0x4  }
0x11b: {  	v61 =	vshrl.u32 v3, $0x3  }
0x11c: {  	v4 =	vmul.u32 $0x30, v61  }
0x11d: {  	v3 =	vand.u32 $0x7, v3  }
0x11e: {  	v3 =	vor.u32 v3, v4  }
0x11f: {  	v4 =	vperm.xlane v3, v0;
	_ =	sdelay $0x1  }
0x120: {  	v4 =	vadd.s32 v1, v4;
	_ =	sdelay $0x3  }
0x121: {  	s1 =	simm.s32 $0xF080;
	v3 =	vperm.xlane v3, v2  }
0x122: {  	[tilespmem:s1], [sflag:$0x1] =	stream.indirect_vreg.gather [hbm4b:s3+s2], $0x80, v4, vm0, $0xb8;
	[tilespmem:$0x18080] =	vst v63  }
0x123: {  	s9 =	simm.s32 $0xF880;
	v3 =	vadd.s32 v1, v3  }
0x124: {  	[tilespmem:s9], [sflag:$0x1] =	stream.indirect_vreg.gather [hbm4b:s4+s2], $0x80, v4, vm0, $0xb8;
	[tilespmem:$0x18080] =	vst v63  }
0x125: {  	s1 =	simm.s32 $0x10080  }
0x126: {  	[tilespmem:s1], [sflag:$0x1] =	stream.indirect_vreg.gather [hbm4b:s5+s2], $0x80, v4, vm0, $0xb8;
	[tilespmem:$0x18080] =	vst v63  }
0x127: {  	s9 =	simm.s32 $0x10880  }
0x128: {  	[tilespmem:s9], [sflag:$0x1] =	stream.indirect_vreg.gather [hbm4b:s3+s2], $0x80, v3, vm0, $0xb8;
	[tilespmem:$0x18080] =	vst v63  }
0x129: {  	s1 =	simm.s32 $0x11080  }
0x12a: {  	[tilespmem:s1], [sflag:$0x1] =	stream.indirect_vreg.gather [hbm4b:s4+s2], $0x80, v3, vm0, $0xb8;
	[tilespmem:$0x18080] =	vst v63  }
0x12b: {  	s9 =	simm.s32 $0x11880  }
0x12c: {  	[tilespmem:s9], [sflag:$0x1] =	stream.indirect_vreg.gather [hbm4b:s5+s2], $0x80, v3, vm0, $0xb8;
	[tilespmem:$0x18080] =	vst v63  }
0x12d: {  	v3 =	vld [tilespmem:$0x60];
	_ =	sdelay $0x4  }
0x12e: {  	v62 =	vshrl.u32 v3, $0x3  }
0x12f: {  	v4 =	vmul.u32 $0x30, v62  }
0x130: {  	v3 =	vand.u32 $0x7, v3  }
0x131: {  	v3 =	vor.u32 v3, v4  }
0x132: {  	v4 =	vperm.xlane v3, v0;
	_ =	sdelay $0x1  }
0x133: {  	v4 =	vadd.s32 v1, v4;
	_ =	sdelay $0x3  }
0x134: {  	s1 =	simm.s32 $0x12080;
	v3 =	vperm.xlane v3, v2  }
0x135: {  	[tilespmem:s1], [sflag:$0x1] =	stream.indirect_vreg.gather [hbm4b:s3+s2], $0x80, v4, vm0, $0xb8;
	[tilespmem:$0x18080] =	vst v63  }
0x136: {  	s9 =	simm.s32 $0x12880;
	v3 =	vadd.s32 v1, v3  }
0x137: {  	[tilespmem:s9], [sflag:$0x1] =	stream.indirect_vreg.gather [hbm4b:s4+s2], $0x80, v4, vm0, $0xb8;
	[tilespmem:$0x18080] =	vst v63  }
0x138: {  	s1 =	simm.s32 $0x13080  }
0x139: {  	[tilespmem:s1], [sflag:$0x1] =	stream.indirect_vreg.gather [hbm4b:s5+s2], $0x80, v4, vm0, $0xb8;
	[tilespmem:$0x18080] =	vst v63  }
0x13a: {  	s9 =	simm.s32 $0x13880  }
0x13b: {  	[tilespmem:s9], [sflag:$0x1] =	stream.indirect_vreg.gather [hbm4b:s3+s2], $0x80, v3, vm0, $0xb8;
	[tilespmem:$0x18080] =	vst v63  }
0x13c: {  	s1 =	simm.s32 $0x14080  }
0x13d: {  	[tilespmem:s1], [sflag:$0x1] =	stream.indirect_vreg.gather [hbm4b:s4+s2], $0x80, v3, vm0, $0xb8;
	[tilespmem:$0x18080] =	vst v63  }
0x13e: {  	s9 =	simm.s32 $0x14880  }
0x13f: {  	[tilespmem:s9], [sflag:$0x1] =	stream.indirect_vreg.gather [hbm4b:s5+s2], $0x80, v3, vm0, $0xb8;
	[tilespmem:$0x18080] =	vst v63  }
0x140: {  	v3 =	vld [tilespmem:$0x70];
	_ =	sdelay $0x4  }
0x141: {  	v63 =	vshrl.u32 v3, $0x3  }
0x142: {  	v4 =	vmul.u32 $0x30, v63  }
0x143: {  	v3 =	vand.u32 $0x7, v3  }
0x144: {  	v3 =	vor.u32 v3, v4  }
0x145: {  	v4 =	vperm.xlane v3, v0;
	_ =	sdelay $0x1  }
0x146: {  	v4 =	vadd.s32 v1, v4;
	_ =	sdelay $0x3  }
0x147: {  	s1 =	simm.s32 $0x15080;
	v3 =	vperm.xlane v3, v2  }
0x148: {  	[tilespmem:s1], [sflag:$0x1] =	stream.indirect_vreg.gather [hbm4b:s3+s2], $0x80, v4, vm0, $0xb8;
	[tilespmem:$0x18080] =	vst v63  }
0x149: {  	s9 =	simm.s32 $0x15880;
	v3 =	vadd.s32 v1, v3  }
0x14a: {  	[tilespmem:s9], [sflag:$0x1] =	stream.indirect_vreg.gather [hbm4b:s4+s2], $0x80, v4, vm0, $0xb8;
	[tilespmem:$0x18080] =	vst v63  }
0x14b: {  	s1 =	simm.s32 $0x16080  }
0x14c: {  	[tilespmem:s1], [sflag:$0x1] =	stream.indirect_vreg.gather [hbm4b:s5+s2], $0x80, v4, vm0, $0xb8;
	[tilespmem:$0x18080] =	vst v63  }
0x14d: {  	s9 =	simm.s32 $0x16880  }
0x14e: {  	[tilespmem:s9], [sflag:$0x1] =	stream.indirect_vreg.gather [hbm4b:s3+s2], $0x80, v3, vm0, $0xb8;
	[tilespmem:$0x18080] =	vst v63  }
0x14f: {  	s1 =	simm.s32 $0x17080  }
0x150: {  	[tilespmem:s1], [sflag:$0x1] =	stream.indirect_vreg.gather [hbm4b:s4+s2], $0x80, v3, vm0, $0xb8;
	[tilespmem:$0x18080] =	vst v63  }
0x151: {  	s9 =	simm.s32 $0x17880  }
0x152: {  	[tilespmem:s9], [sflag:$0x1] =	stream.indirect_vreg.gather [hbm4b:s5+s2], $0x80, v3, vm0, $0xb8;
	[tilespmem:$0x18080] =	vst v63  }
0x153: {  	_ =	swait.ge [sflag:s8], $0x18000  }
0x154: {  	p0 =	sne.s32 s6, $0x1;
	s1 =	simm.s32 $0x80;
	[sflag:s8] =	ssyncset.done $0x0  }
.Ltmp0:
0x155: {  	s0 =	rddreg [dreg:$0x5];
	[sflag:s8] =	ssyncadd.s32 $0xFFFE8000;
	(pc) =	sbr.rel @p0 .LBB2_1-.Ltmp0, $4  }
0x156: {  	[hbm4b:s0+s2] =	stream.linear.scatter [tilespmem:s1], [sflag:$0x2], $0x18000, $0x38;
	[tilespmem:$0x18080] =	vst v63  }
0x157: {  	_ =	swait.ge [sflag:s7], $0x18000  }
0x158: {  	[sflag:s7] =	ssyncset.done $0x0  }
0x159: {  	s6 =	sadd.s32 $0xFFFFFFFF, s6;
	[sflag:s7] =	ssyncadd.s32 $0xFFFE8000  }
0x15a: {  	_ =	sfence.sel $0x180000  }
0x15b: {  	[bflag:$0x0] =	sbarrier.arrive $0xFFFF  }
0x15c: {  	_ =	strace $0x9000004A  }
0x15d: {  	s0 =	stileid.u32;
	[bflag:$0x2] =	sbarrier.arrive $0xFFFF  }
0x15e: {  	p0 =	sne.s32 s0, $0x0;
	s0 =	rddreg [dreg:$0x1]  }
0x15f: {  	s0 =	sadd.s32 @!p0 $0x100000, s0  }
0x160: {  	[sflag:s0] =	ssyncadd.tile.s32 @!p0 $0x1;
	_ =	shalt  }
.Lfunc_end2:
_tile_overlayer_lowered:
.L_overlay_start_2:
0x161: {  	(tag) =	ssettag $0x2  }
0x162: {  	s0 =	rddreg [dreg:$0x0];
	s2 =	stileid.u32  }
0x163: {  	s1 =	rddreg [dreg:$0x1];
	p0 =	sne.s32 s2, $0x0  }
0x164: {  	s3 =	rddreg [dreg:$0x2];
	[bflag:$0x3] =	sbarrier.arrive $0xFFFF;
	s2 =	simm.s32 @!p0 $0x1C02  }
0x165: {  	[timem:s3], [sflag:s2] =	dma.local @!p0 [hbm:s0], s1  }
0x166: {  	s0 =	simm.s32 @!p0 $0x2  }
0x167: {  	_ =	swait.ge @!p0 [sflag:s0], s1  }
0x168: {  	s1 =	ssub.s32 @!p0 $0x0, s1;
	[sflag:s0] =	ssyncset.done @!p0 $0x0  }
0x169: {  	[sflag:s0] =	ssyncadd.s32 @!p0 s1  }
0x16a: {  	[bflag:$0x3] =	sbarrier.arrive $0xFFFF  }
0x16b: {  	_ =	shalt  }

</sc_bundles>
